<compile_context>
chip_gen: v7x
topology: tpu7x:2x2x1
jax: 0.10.2.dev20260603
libtpu: 0.0.44.dev20260713+nightly
codegen_flags: <defaults>
</compile_context>

<pallas_src>
import jax
import jax.numpy as jnp
from jax import lax
from jax.experimental import pallas as pl
from jax.experimental.pallas import tpu as pltpu
from jax.experimental.pallas import tpu_sc as plsc

MAX_BATCH_SIZE = 128
BUFFER_LENGTH = 16
HIDDEN_SIZE = 4096
BATCH = 128
NROWS = (MAX_BATCH_SIZE + 1) * BUFFER_LENGTH
NC, NS, LANES = 2, 16, 16
NW = NC * NS
BASE_ROWS = NROWS // NW
ZROWS = 16


def _body(seq_hbm, pos_hbm, hs_hbm, out_hbm, seq_v, pos_v, table_v, zero_v,
          sem_z, sem_s):
    w = lax.axis_index("c") * NS + lax.axis_index("s")
    has_extra = w < (NROWS - NW * BASE_ROWS)
    lo = w * BASE_ROWS + jnp.minimum(w, NROWS - NW * BASE_ROWS)

    pltpu.sync_copy(seq_hbm, seq_v.at[pl.ds(0, BATCH)])
    pltpu.sync_copy(pos_hbm, pos_v.at[pl.ds(0, BATCH)])

    zero16 = jnp.zeros((LANES,), jnp.float32)
    for zr in range(ZROWS):
        def zfill(k, _):
            zero_v[zr, pl.ds(k * LANES, LANES)] = zero16
            return _
        lax.fori_loop(0, HIDDEN_SIZE // LANES, zfill, 0, unroll=8)

    zcopies = [
        pltpu.make_async_copy(
            zero_v, out_hbm.at[pl.ds(lo + k * ZROWS, ZROWS)], sem_z)
        for k in range(BASE_ROWS // ZROWS)
    ]
    for c in zcopies:
        c.start()

    @pl.when(has_extra)
    def _():
        pltpu.sync_copy(
            zero_v.at[pl.ds(0, 1)], out_hbm.at[pl.ds(lo + BASE_ROWS, 1)])

    for c in zcopies:
        c.wait()



def kernel(seq_ids, position_ids, hidden_state, hidden_states):
    seq = seq_ids.reshape(BATCH).astype(jnp.int32)
    pos = position_ids.reshape(BATCH).astype(jnp.int32)
    hs = hidden_state.reshape(BATCH, HIDDEN_SIZE)
    run = pl.kernel(
        _body,
        out_type=jax.ShapeDtypeStruct((NROWS, HIDDEN_SIZE), jnp.float32),
        mesh=plsc.VectorSubcoreMesh(core_axis_name="c", subcore_axis_name="s"),
        compiler_params=pltpu.CompilerParams(use_tc_tiling_on_sc=False, needs_layout_passes=False),
        scratch_types=[
            pltpu.VMEM((BATCH + LANES,), jnp.int32),
            pltpu.VMEM((BATCH + LANES,), jnp.int32),
            pltpu.VMEM((NROWS + LANES,), jnp.int32),
            pltpu.VMEM((ZROWS, HIDDEN_SIZE), jnp.float32),
            pltpu.SemaphoreType.DMA,
            pltpu.SemaphoreType.DMA,
        ],
    )
    out = run(seq, pos, hs)
    return out.reshape(MAX_BATCH_SIZE + 1, BUFFER_LENGTH, HIDDEN_SIZE)

# --- scband reference (transcript-rebuilt; emitter-appended) ---
"""Pipeline reference for scband-hidden-state-rolling-buffer-80376017977971 (READ-ONLY COPY).

The authoritative reference and input builder live on the scoring server;
editing this copy changes nothing except your own understanding.
"""

import jax, jax.numpy as jnp
import numpy as np

MAX_BATCH_SIZE = 128
BUFFER_LENGTH = 16
HIDDEN_SIZE = 4096
BATCH = 128


def setup_inputs(seed: int = 0) -> dict:
    key = jax.random.key(seed)
    k1, k2, k3 = jax.random.split(key, 3)
    seq_ids = jax.random.randint(k1, (BATCH,), 0, MAX_BATCH_SIZE, dtype=jnp.int64 if jax.config.jax_enable_x64 else jnp.int32).astype(jnp.int32)
    position_ids = jax.random.randint(k2, (BATCH,), 0, 8192, dtype=jnp.int32)
    hidden_state = jax.random.normal(k3, (BATCH, 1, HIDDEN_SIZE), dtype=jnp.float32)
    # learned/buffer parameter: the rolling buffer, zero-initialized as in __init__
    hidden_states = jnp.zeros((MAX_BATCH_SIZE + 1, BUFFER_LENGTH, HIDDEN_SIZE), dtype=jnp.float32)
    return {
        "seq_ids": seq_ids,
        "position_ids": position_ids,
        "hidden_state": hidden_state,
        "hidden_states": hidden_states,
    }


def reference(seq_ids, position_ids, hidden_state, hidden_states):
    # Faithful translation of HiddenStateRollingBuffer.set_state
    # (apply_seq_ids_mask=False, use_kernel=False, inplace=False)
    seq_ids = seq_ids.reshape(seq_ids.shape[0])
    position_ids = position_ids.reshape(position_ids.shape[0])
    hs = jnp.squeeze(hidden_state, axis=1)
    pos = position_ids % BUFFER_LENGTH
    # torch.index_put with non-accumulating semantics -> scatter-overwrite
    result = hidden_states.at[seq_ids, pos].set(hs)
    return result

if __name__ == "__main__":
    import jax
    _d = setup_inputs()
    print(jax.jit(kernel)(*tuple(_d.values())))

</pallas_src>

<mosaic_0001>
#map = affine_map<(d0, d1) -> (0)>
#map1 = affine_map<(d0, d1) -> (0, 0)>
module attributes {stable_mosaic.version = 14 : i64} {
  func.func @_body(%arg0: i32, %arg1: i32, %arg2: memref<128xi32, #tpu.memory_space<hbm>>, %arg3: memref<128xi32, #tpu.memory_space<hbm>>, %arg4: memref<128x4096xf32, #tpu.memory_space<hbm>>, %arg5: memref<2064x4096xf32, #tpu.memory_space<hbm>>, %arg6: memref<144xi32, #tpu.memory_space<vmem>>, %arg7: memref<144xi32, #tpu.memory_space<vmem>>, %arg8: memref<2080xi32, #tpu.memory_space<vmem>>, %arg9: memref<16x4096xf32, #tpu.memory_space<vmem>>, %arg10: memref<!tpu.dma_semaphore, #tpu.memory_space<semaphore_mem>>, %arg11: memref<!tpu.dma_semaphore, #tpu.memory_space<semaphore_mem>>) attributes {dimension_semantics = [#tpu.dimension_semantics<core_parallel>, #tpu.dimension_semantics<subcore_parallel>], iteration_bounds = array<i64: 2, 16>, scalar_prefetch = 0 : i64, scratch_operands = 6 : i64, tpu.core_type = #tpu.core_type<sc_vector_subcore>, window_params = [{transform_indices = #map}, {transform_indices = #map}, {transform_indices = #map1}, {transform_indices = #map1}]} {
    %mul3A = arith.constant 16 : i32
    %mul3A_0 = arith.muli %arg0, %mul3A : i32
    %add3A = arith.addi %mul3A_0, %arg1 : i32
    %lt3A = arith.constant 16 : i32
    %lt3A_1 = arith.cmpi slt, %add3A, %lt3A : i32
    %mul3A_2 = arith.constant 64 : i32
    %mul3A_3 = arith.muli %add3A, %mul3A_2 : i32
    %min3A = arith.constant 16 : i32
    %min3A_4 = arith.minsi %add3A, %min3A : i32
    %add3A_5 = arith.addi %mul3A_3, %min3A_4 : i32
    "tpu.region"() ({
      %run_scoped3A = tpu.sem_alloc : memref<!tpu.dma_semaphore, #tpu.memory_space<semaphore_mem>>
      %dma_start3A_141 = arith.constant 0 : i32
      %dma_start3A_142 = tpu.memref_slice %arg6[%dma_start3A_141] : memref<144xi32, #tpu.memory_space<vmem>> -> memref<128xi32, #tpu.memory_space<vmem>>
      %dma_start3A_143 = arith.constant 0 : i32
      %dma_start3A_144 = tpu.memref_slice %arg6[%dma_start3A_143] : memref<144xi32, #tpu.memory_space<vmem>> -> memref<128xi32, #tpu.memory_space<vmem>>
      tpu.enqueue_dma source(%arg2 : memref<128xi32, #tpu.memory_space<hbm>>) target(%dma_start3A_144 : memref<128xi32, #tpu.memory_space<vmem>>) target_semaphore(%run_scoped3A : memref<!tpu.dma_semaphore, #tpu.memory_space<semaphore_mem>>)
      %dma_wait3A_145 = arith.constant 0 : i32
      %dma_wait3A_146 = tpu.memref_slice %arg6[%dma_wait3A_145] : memref<144xi32, #tpu.memory_space<vmem>> -> memref<128xi32, #tpu.memory_space<vmem>>
      %dma_wait3A_147 = arith.constant 0 : i32
      %dma_wait3A_148 = tpu.memref_slice %arg6[%dma_wait3A_147] : memref<144xi32, #tpu.memory_space<vmem>> -> memref<128xi32, #tpu.memory_space<vmem>>
      tpu.wait_dma2 semaphore(%run_scoped3A : memref<!tpu.dma_semaphore, #tpu.memory_space<semaphore_mem>>) src(%arg2 : memref<128xi32, #tpu.memory_space<hbm>>) dst(%dma_wait3A_148 : memref<128xi32, #tpu.memory_space<vmem>>)
      tpu.yield
    }) : () -> ()
    "tpu.region"() ({
      %run_scoped3A = tpu.sem_alloc : memref<!tpu.dma_semaphore, #tpu.memory_space<semaphore_mem>>
      %dma_start3A_141 = arith.constant 0 : i32
      %dma_start3A_142 = tpu.memref_slice %arg7[%dma_start3A_141] : memref<144xi32, #tpu.memory_space<vmem>> -> memref<128xi32, #tpu.memory_space<vmem>>
      %dma_start3A_143 = arith.constant 0 : i32
      %dma_start3A_144 = tpu.memref_slice %arg7[%dma_start3A_143] : memref<144xi32, #tpu.memory_space<vmem>> -> memref<128xi32, #tpu.memory_space<vmem>>
      tpu.enqueue_dma source(%arg3 : memref<128xi32, #tpu.memory_space<hbm>>) target(%dma_start3A_144 : memref<128xi32, #tpu.memory_space<vmem>>) target_semaphore(%run_scoped3A : memref<!tpu.dma_semaphore, #tpu.memory_space<semaphore_mem>>)
      %dma_wait3A_145 = arith.constant 0 : i32
      %dma_wait3A_146 = tpu.memref_slice %arg7[%dma_wait3A_145] : memref<144xi32, #tpu.memory_space<vmem>> -> memref<128xi32, #tpu.memory_space<vmem>>
      %dma_wait3A_147 = arith.constant 0 : i32
      %dma_wait3A_148 = tpu.memref_slice %arg7[%dma_wait3A_147] : memref<144xi32, #tpu.memory_space<vmem>> -> memref<128xi32, #tpu.memory_space<vmem>>
      tpu.wait_dma2 semaphore(%run_scoped3A : memref<!tpu.dma_semaphore, #tpu.memory_space<semaphore_mem>>) src(%arg3 : memref<128xi32, #tpu.memory_space<hbm>>) dst(%dma_wait3A_148 : memref<128xi32, #tpu.memory_space<vmem>>)
      tpu.yield
    }) : () -> ()
    %broadcast_in_dim3A = arith.constant 0.000000e+00 : f32
    %broadcast_in_dim3A_6 = vector.broadcast %broadcast_in_dim3A : f32 to vector<16xf32>
    %scan3A = arith.constant 0 : i32
    %scan3A_7 = arith.constant 0 : i32
    %scan3A_8 = arith.constant 256 : i32
    %scan3A_9 = arith.addi %scan3A_7, %scan3A_8 : i32
    %scan3A_10 = arith.constant 8 : i32
    scf.for %scan3A_141 = %scan3A_7 to %scan3A_9 step %scan3A_10  : i32 {
      %mul3A_142 = arith.constant 16 : i32
      %mul3A_143 = arith.muli %scan3A_141, %mul3A_142 : i32
      %swap3A = arith.constant 0 : i32
      %swap3A_144 = arith.index_cast %swap3A : i32 to index
      %swap3A_145 = arith.index_cast %mul3A_143 : i32 to index
      %swap3A_146 = tpu.vector_load %arg9[%swap3A_144, %swap3A_145] {strides = array<i32>} : memref<16x4096xf32, #tpu.memory_space<vmem>>, vector<16xf32>,
      tpu.vector_store %arg9[%swap3A_144, %swap3A_145], %broadcast_in_dim3A_6 {strides = array<i32>} : memref<16x4096xf32, #tpu.memory_space<vmem>>, vector<16xf32>,
      %scan3A_147 = arith.constant 1 : i32
      %scan3A_148 = arith.addi %scan3A_141, %scan3A_147 : i32
      %mul3A_149 = arith.constant 16 : i32
      %mul3A_150 = arith.muli %scan3A_148, %mul3A_149 : i32
      %swap3A_151 = arith.constant 0 : i32
      %swap3A_152 = arith.index_cast %swap3A_151 : i32 to index
      %swap3A_153 = arith.index_cast %mul3A_150 : i32 to index
      %swap3A_154 = tpu.vector_load %arg9[%swap3A_152, %swap3A_153] {strides = array<i32>} : memref<16x4096xf32, #tpu.memory_space<vmem>>, vector<16xf32>,
      tpu.vector_store %arg9[%swap3A_152, %swap3A_153], %broadcast_in_dim3A_6 {strides = array<i32>} : memref<16x4096xf32, #tpu.memory_space<vmem>>, vector<16xf32>,
      %scan3A_155 = arith.constant 2 : i32
      %scan3A_156 = arith.addi %scan3A_141, %scan3A_155 : i32
      %mul3A_157 = arith.constant 16 : i32
      %mul3A_158 = arith.muli %scan3A_156, %mul3A_157 : i32
      %swap3A_159 = arith.constant 0 : i32
      %swap3A_160 = arith.index_cast %swap3A_159 : i32 to index
      %swap3A_161 = arith.index_cast %mul3A_158 : i32 to index
      %swap3A_162 = tpu.vector_load %arg9[%swap3A_160, %swap3A_161] {strides = array<i32>} : memref<16x4096xf32, #tpu.memory_space<vmem>>, vector<16xf32>,
      tpu.vector_store %arg9[%swap3A_160, %swap3A_161], %broadcast_in_dim3A_6 {strides = array<i32>} : memref<16x4096xf32, #tpu.memory_space<vmem>>, vector<16xf32>,
      %scan3A_163 = arith.constant 3 : i32
      %scan3A_164 = arith.addi %scan3A_141, %scan3A_163 : i32
      %mul3A_165 = arith.constant 16 : i32
      %mul3A_166 = arith.muli %scan3A_164, %mul3A_165 : i32
      %swap3A_167 = arith.constant 0 : i32
      %swap3A_168 = arith.index_cast %swap3A_167 : i32 to index
      %swap3A_169 = arith.index_cast %mul3A_166 : i32 to index
      %swap3A_170 = tpu.vector_load %arg9[%swap3A_168, %swap3A_169] {strides = array<i32>} : memref<16x4096xf32, #tpu.memory_space<vmem>>, vector<16xf32>,
      tpu.vector_store %arg9[%swap3A_168, %swap3A_169], %broadcast_in_dim3A_6 {strides = array<i32>} : memref<16x4096xf32, #tpu.memory_space<vmem>>, vector<16xf32>,
      %scan3A_171 = arith.constant 4 : i32
      %scan3A_172 = arith.addi %scan3A_141, %scan3A_171 : i32
      %mul3A_173 = arith.constant 16 : i32
      %mul3A_174 = arith.muli %scan3A_172, %mul3A_173 : i32
      %swap3A_175 = arith.constant 0 : i32
      %swap3A_176 = arith.index_cast %swap3A_175 : i32 to index
      %swap3A_177 = arith.index_cast %mul3A_174 : i32 to index
      %swap3A_178 = tpu.vector_load %arg9[%swap3A_176, %swap3A_177] {strides = array<i32>} : memref<16x4096xf32, #tpu.memory_space<vmem>>, vector<16xf32>,
      tpu.vector_store %arg9[%swap3A_176, %swap3A_177], %broadcast_in_dim3A_6 {strides = array<i32>} : memref<16x4096xf32, #tpu.memory_space<vmem>>, vector<16xf32>,
      %scan3A_179 = arith.constant 5 : i32
      %scan3A_180 = arith.addi %scan3A_141, %scan3A_179 : i32
      %mul3A_181 = arith.constant 16 : i32
      %mul3A_182 = arith.muli %scan3A_180, %mul3A_181 : i32
      %swap3A_183 = arith.constant 0 : i32
      %swap3A_184 = arith.index_cast %swap3A_183 : i32 to index
      %swap3A_185 = arith.index_cast %mul3A_182 : i32 to index
      %swap3A_186 = tpu.vector_load %arg9[%swap3A_184, %swap3A_185] {strides = array<i32>} : memref<16x4096xf32, #tpu.memory_space<vmem>>, vector<16xf32>,
      tpu.vector_store %arg9[%swap3A_184, %swap3A_185], %broadcast_in_dim3A_6 {strides = array<i32>} : memref<16x4096xf32, #tpu.memory_space<vmem>>, vector<16xf32>,
      %scan3A_187 = arith.constant 6 : i32
      %scan3A_188 = arith.addi %scan3A_141, %scan3A_187 : i32
      %mul3A_189 = arith.constant 16 : i32
      %mul3A_190 = arith.muli %scan3A_188, %mul3A_189 : i32
      %swap3A_191 = arith.constant 0 : i32
      %swap3A_192 = arith.index_cast %swap3A_191 : i32 to index
      %swap3A_193 = arith.index_cast %mul3A_190 : i32 to index
      %swap3A_194 = tpu.vector_load %arg9[%swap3A_192, %swap3A_193] {strides = array<i32>} : memref<16x4096xf32, #tpu.memory_space<vmem>>, vector<16xf32>,
      tpu.vector_store %arg9[%swap3A_192, %swap3A_193], %broadcast_in_dim3A_6 {strides = array<i32>} : memref<16x4096xf32, #tpu.memory_space<vmem>>, vector<16xf32>,
      %scan3A_195 = arith.constant 7 : i32
      %scan3A_196 = arith.addi %scan3A_141, %scan3A_195 : i32
      %mul3A_197 = arith.constant 16 : i32
      %mul3A_198 = arith.muli %scan3A_196, %mul3A_197 : i32
      %swap3A_199 = arith.constant 0 : i32
      %swap3A_200 = arith.index_cast %swap3A_199 : i32 to index
      %swap3A_201 = arith.index_cast %mul3A_198 : i32 to index
      %swap3A_202 = tpu.vector_load %arg9[%swap3A_200, %swap3A_201] {strides = array<i32>} : memref<16x4096xf32, #tpu.memory_space<vmem>>, vector<16xf32>,
      tpu.vector_store %arg9[%swap3A_200, %swap3A_201], %broadcast_in_dim3A_6 {strides = array<i32>} : memref<16x4096xf32, #tpu.memory_space<vmem>>, vector<16xf32>,
    }
    %scan3A_11 = arith.constant 256 : i32
    %scan3A_12 = arith.constant 0 : i32
    %scan3A_13 = arith.constant 0 : i32
    %scan3A_14 = arith.constant 256 : i32
    %scan3A_15 = arith.addi %scan3A_13, %scan3A_14 : i32
    %scan3A_16 = arith.constant 8 : i32
    scf.for %scan3A_141 = %scan3A_13 to %scan3A_15 step %scan3A_16  : i32 {
      %mul3A_142 = arith.constant 16 : i32
      %mul3A_143 = arith.muli %scan3A_141, %mul3A_142 : i32
      %swap3A = arith.constant 1 : i32
      %swap3A_144 = arith.index_cast %swap3A : i32 to index
      %swap3A_145 = arith.index_cast %mul3A_143 : i32 to index
      %swap3A_146 = tpu.vector_load %arg9[%swap3A_144, %swap3A_145] {strides = array<i32>} : memref<16x4096xf32, #tpu.memory_space<vmem>>, vector<16xf32>,
      tpu.vector_store %arg9[%swap3A_144, %swap3A_145], %broadcast_in_dim3A_6 {strides = array<i32>} : memref<16x4096xf32, #tpu.memory_space<vmem>>, vector<16xf32>,
      %scan3A_147 = arith.constant 1 : i32
      %scan3A_148 = arith.addi %scan3A_141, %scan3A_147 : i32
      %mul3A_149 = arith.constant 16 : i32
      %mul3A_150 = arith.muli %scan3A_148, %mul3A_149 : i32
      %swap3A_151 = arith.constant 1 : i32
      %swap3A_152 = arith.index_cast %swap3A_151 : i32 to index
      %swap3A_153 = arith.index_cast %mul3A_150 : i32 to index
      %swap3A_154 = tpu.vector_load %arg9[%swap3A_152, %swap3A_153] {strides = array<i32>} : memref<16x4096xf32, #tpu.memory_space<vmem>>, vector<16xf32>,
      tpu.vector_store %arg9[%swap3A_152, %swap3A_153], %broadcast_in_dim3A_6 {strides = array<i32>} : memref<16x4096xf32, #tpu.memory_space<vmem>>, vector<16xf32>,
      %scan3A_155 = arith.constant 2 : i32
      %scan3A_156 = arith.addi %scan3A_141, %scan3A_155 : i32
      %mul3A_157 = arith.constant 16 : i32
      %mul3A_158 = arith.muli %scan3A_156, %mul3A_157 : i32
      %swap3A_159 = arith.constant 1 : i32
      %swap3A_160 = arith.index_cast %swap3A_159 : i32 to index
      %swap3A_161 = arith.index_cast %mul3A_158 : i32 to index
      %swap3A_162 = tpu.vector_load %arg9[%swap3A_160, %swap3A_161] {strides = array<i32>} : memref<16x4096xf32, #tpu.memory_space<vmem>>, vector<16xf32>,
      tpu.vector_store %arg9[%swap3A_160, %swap3A_161], %broadcast_in_dim3A_6 {strides = array<i32>} : memref<16x4096xf32, #tpu.memory_space<vmem>>, vector<16xf32>,
      %scan3A_163 = arith.constant 3 : i32
      %scan3A_164 = arith.addi %scan3A_141, %scan3A_163 : i32
      %mul3A_165 = arith.constant 16 : i32
      %mul3A_166 = arith.muli %scan3A_164, %mul3A_165 : i32
      %swap3A_167 = arith.constant 1 : i32
      %swap3A_168 = arith.index_cast %swap3A_167 : i32 to index
      %swap3A_169 = arith.index_cast %mul3A_166 : i32 to index
      %swap3A_170 = tpu.vector_load %arg9[%swap3A_168, %swap3A_169] {strides = array<i32>} : memref<16x4096xf32, #tpu.memory_space<vmem>>, vector<16xf32>,
      tpu.vector_store %arg9[%swap3A_168, %swap3A_169], %broadcast_in_dim3A_6 {strides = array<i32>} : memref<16x4096xf32, #tpu.memory_space<vmem>>, vector<16xf32>,
      %scan3A_171 = arith.constant 4 : i32
      %scan3A_172 = arith.addi %scan3A_141, %scan3A_171 : i32
      %mul3A_173 = arith.constant 16 : i32
      %mul3A_174 = arith.muli %scan3A_172, %mul3A_173 : i32
      %swap3A_175 = arith.constant 1 : i32
      %swap3A_176 = arith.index_cast %swap3A_175 : i32 to index
      %swap3A_177 = arith.index_cast %mul3A_174 : i32 to index
      %swap3A_178 = tpu.vector_load %arg9[%swap3A_176, %swap3A_177] {strides = array<i32>} : memref<16x4096xf32, #tpu.memory_space<vmem>>, vector<16xf32>,
      tpu.vector_store %arg9[%swap3A_176, %swap3A_177], %broadcast_in_dim3A_6 {strides = array<i32>} : memref<16x4096xf32, #tpu.memory_space<vmem>>, vector<16xf32>,
      %scan3A_179 = arith.constant 5 : i32
      %scan3A_180 = arith.addi %scan3A_141, %scan3A_179 : i32
      %mul3A_181 = arith.constant 16 : i32
      %mul3A_182 = arith.muli %scan3A_180, %mul3A_181 : i32
      %swap3A_183 = arith.constant 1 : i32
      %swap3A_184 = arith.index_cast %swap3A_183 : i32 to index
      %swap3A_185 = arith.index_cast %mul3A_182 : i32 to index
      %swap3A_186 = tpu.vector_load %arg9[%swap3A_184, %swap3A_185] {strides = array<i32>} : memref<16x4096xf32, #tpu.memory_space<vmem>>, vector<16xf32>,
      tpu.vector_store %arg9[%swap3A_184, %swap3A_185], %broadcast_in_dim3A_6 {strides = array<i32>} : memref<16x4096xf32, #tpu.memory_space<vmem>>, vector<16xf32>,
      %scan3A_187 = arith.constant 6 : i32
      %scan3A_188 = arith.addi %scan3A_141, %scan3A_187 : i32
      %mul3A_189 = arith.constant 16 : i32
      %mul3A_190 = arith.muli %scan3A_188, %mul3A_189 : i32
      %swap3A_191 = arith.constant 1 : i32
      %swap3A_192 = arith.index_cast %swap3A_191 : i32 to index
      %swap3A_193 = arith.index_cast %mul3A_190 : i32 to index
      %swap3A_194 = tpu.vector_load %arg9[%swap3A_192, %swap3A_193] {strides = array<i32>} : memref<16x4096xf32, #tpu.memory_space<vmem>>, vector<16xf32>,
      tpu.vector_store %arg9[%swap3A_192, %swap3A_193], %broadcast_in_dim3A_6 {strides = array<i32>} : memref<16x4096xf32, #tpu.memory_space<vmem>>, vector<16xf32>,
      %scan3A_195 = arith.constant 7 : i32
      %scan3A_196 = arith.addi %scan3A_141, %scan3A_195 : i32
      %mul3A_197 = arith.constant 16 : i32
      %mul3A_198 = arith.muli %scan3A_196, %mul3A_197 : i32
      %swap3A_199 = arith.constant 1 : i32
      %swap3A_200 = arith.index_cast %swap3A_199 : i32 to index
      %swap3A_201 = arith.index_cast %mul3A_198 : i32 to index
      %swap3A_202 = tpu.vector_load %arg9[%swap3A_200, %swap3A_201] {strides = array<i32>} : memref<16x4096xf32, #tpu.memory_space<vmem>>, vector<16xf32>,
      tpu.vector_store %arg9[%swap3A_200, %swap3A_201], %broadcast_in_dim3A_6 {strides = array<i32>} : memref<16x4096xf32, #tpu.memory_space<vmem>>, vector<16xf32>,
    }
    %scan3A_17 = arith.constant 256 : i32
    %scan3A_18 = arith.constant 0 : i32
    %scan3A_19 = arith.constant 0 : i32
    %scan3A_20 = arith.constant 256 : i32
    %scan3A_21 = arith.addi %scan3A_19, %scan3A_20 : i32
    %scan3A_22 = arith.constant 8 : i32
    scf.for %scan3A_141 = %scan3A_19 to %scan3A_21 step %scan3A_22  : i32 {
      %mul3A_142 = arith.constant 16 : i32
      %mul3A_143 = arith.muli %scan3A_141, %mul3A_142 : i32
      %swap3A = arith.constant 2 : i32
      %swap3A_144 = arith.index_cast %swap3A : i32 to index
      %swap3A_145 = arith.index_cast %mul3A_143 : i32 to index
      %swap3A_146 = tpu.vector_load %arg9[%swap3A_144, %swap3A_145] {strides = array<i32>} : memref<16x4096xf32, #tpu.memory_space<vmem>>, vector<16xf32>,
      tpu.vector_store %arg9[%swap3A_144, %swap3A_145], %broadcast_in_dim3A_6 {strides = array<i32>} : memref<16x4096xf32, #tpu.memory_space<vmem>>, vector<16xf32>,
      %scan3A_147 = arith.constant 1 : i32
      %scan3A_148 = arith.addi %scan3A_141, %scan3A_147 : i32
      %mul3A_149 = arith.constant 16 : i32
      %mul3A_150 = arith.muli %scan3A_148, %mul3A_149 : i32
      %swap3A_151 = arith.constant 2 : i32
      %swap3A_152 = arith.index_cast %swap3A_151 : i32 to index
      %swap3A_153 = arith.index_cast %mul3A_150 : i32 to index
      %swap3A_154 = tpu.vector_load %arg9[%swap3A_152, %swap3A_153] {strides = array<i32>} : memref<16x4096xf32, #tpu.memory_space<vmem>>, vector<16xf32>,
      tpu.vector_store %arg9[%swap3A_152, %swap3A_153], %broadcast_in_dim3A_6 {strides = array<i32>} : memref<16x4096xf32, #tpu.memory_space<vmem>>, vector<16xf32>,
      %scan3A_155 = arith.constant 2 : i32
      %scan3A_156 = arith.addi %scan3A_141, %scan3A_155 : i32
      %mul3A_157 = arith.constant 16 : i32
      %mul3A_158 = arith.muli %scan3A_156, %mul3A_157 : i32
      %swap3A_159 = arith.constant 2 : i32
      %swap3A_160 = arith.index_cast %swap3A_159 : i32 to index
      %swap3A_161 = arith.index_cast %mul3A_158 : i32 to index
      %swap3A_162 = tpu.vector_load %arg9[%swap3A_160, %swap3A_161] {strides = array<i32>} : memref<16x4096xf32, #tpu.memory_space<vmem>>, vector<16xf32>,
      tpu.vector_store %arg9[%swap3A_160, %swap3A_161], %broadcast_in_dim3A_6 {strides = array<i32>} : memref<16x4096xf32, #tpu.memory_space<vmem>>, vector<16xf32>,
      %scan3A_163 = arith.constant 3 : i32
      %scan3A_164 = arith.addi %scan3A_141, %scan3A_163 : i32
      %mul3A_165 = arith.constant 16 : i32
      %mul3A_166 = arith.muli %scan3A_164, %mul3A_165 : i32
      %swap3A_167 = arith.constant 2 : i32
      %swap3A_168 = arith.index_cast %swap3A_167 : i32 to index
      %swap3A_169 = arith.index_cast %mul3A_166 : i32 to index
      %swap3A_170 = tpu.vector_load %arg9[%swap3A_168, %swap3A_169] {strides = array<i32>} : memref<16x4096xf32, #tpu.memory_space<vmem>>, vector<16xf32>,
      tpu.vector_store %arg9[%swap3A_168, %swap3A_169], %broadcast_in_dim3A_6 {strides = array<i32>} : memref<16x4096xf32, #tpu.memory_space<vmem>>, vector<16xf32>,
      %scan3A_171 = arith.constant 4 : i32
      %scan3A_172 = arith.addi %scan3A_141, %scan3A_171 : i32
      %mul3A_173 = arith.constant 16 : i32
      %mul3A_174 = arith.muli %scan3A_172, %mul3A_173 : i32
      %swap3A_175 = arith.constant 2 : i32
      %swap3A_176 = arith.index_cast %swap3A_175 : i32 to index
      %swap3A_177 = arith.index_cast %mul3A_174 : i32 to index
      %swap3A_178 = tpu.vector_load %arg9[%swap3A_176, %swap3A_177] {strides = array<i32>} : memref<16x4096xf32, #tpu.memory_space<vmem>>, vector<16xf32>,
      tpu.vector_store %arg9[%swap3A_176, %swap3A_177], %broadcast_in_dim3A_6 {strides = array<i32>} : memref<16x4096xf32, #tpu.memory_space<vmem>>, vector<16xf32>,
      %scan3A_179 = arith.constant 5 : i32
      %scan3A_180 = arith.addi %scan3A_141, %scan3A_179 : i32
      %mul3A_181 = arith.constant 16 : i32
      %mul3A_182 = arith.muli %scan3A_180, %mul3A_181 : i32
      %swap3A_183 = arith.constant 2 : i32
      %swap3A_184 = arith.index_cast %swap3A_183 : i32 to index
      %swap3A_185 = arith.index_cast %mul3A_182 : i32 to index
      %swap3A_186 = tpu.vector_load %arg9[%swap3A_184, %swap3A_185] {strides = array<i32>} : memref<16x4096xf32, #tpu.memory_space<vmem>>, vector<16xf32>,
      tpu.vector_store %arg9[%swap3A_184, %swap3A_185], %broadcast_in_dim3A_6 {strides = array<i32>} : memref<16x4096xf32, #tpu.memory_space<vmem>>, vector<16xf32>,
      %scan3A_187 = arith.constant 6 : i32
      %scan3A_188 = arith.addi %scan3A_141, %scan3A_187 : i32
      %mul3A_189 = arith.constant 16 : i32
      %mul3A_190 = arith.muli %scan3A_188, %mul3A_189 : i32
      %swap3A_191 = arith.constant 2 : i32
      %swap3A_192 = arith.index_cast %swap3A_191 : i32 to index
      %swap3A_193 = arith.index_cast %mul3A_190 : i32 to index
      %swap3A_194 = tpu.vector_load %arg9[%swap3A_192, %swap3A_193] {strides = array<i32>} : memref<16x4096xf32, #tpu.memory_space<vmem>>, vector<16xf32>,
      tpu.vector_store %arg9[%swap3A_192, %swap3A_193], %broadcast_in_dim3A_6 {strides = array<i32>} : memref<16x4096xf32, #tpu.memory_space<vmem>>, vector<16xf32>,
      %scan3A_195 = arith.constant 7 : i32
      %scan3A_196 = arith.addi %scan3A_141, %scan3A_195 : i32
      %mul3A_197 = arith.constant 16 : i32
      %mul3A_198 = arith.muli %scan3A_196, %mul3A_197 : i32
      %swap3A_199 = arith.constant 2 : i32
      %swap3A_200 = arith.index_cast %swap3A_199 : i32 to index
      %swap3A_201 = arith.index_cast %mul3A_198 : i32 to index
      %swap3A_202 = tpu.vector_load %arg9[%swap3A_200, %swap3A_201] {strides = array<i32>} : memref<16x4096xf32, #tpu.memory_space<vmem>>, vector<16xf32>,
      tpu.vector_store %arg9[%swap3A_200, %swap3A_201], %broadcast_in_dim3A_6 {strides = array<i32>} : memref<16x4096xf32, #tpu.memory_space<vmem>>, vector<16xf32>,
    }
    %scan3A_23 = arith.constant 256 : i32
    %scan3A_24 = arith.constant 0 : i32
    %scan3A_25 = arith.constant 0 : i32
    %scan3A_26 = arith.constant 256 : i32
    %scan3A_27 = arith.addi %scan3A_25, %scan3A_26 : i32
    %scan3A_28 = arith.constant 8 : i32
    scf.for %scan3A_141 = %scan3A_25 to %scan3A_27 step %scan3A_28  : i32 {
      %mul3A_142 = arith.constant 16 : i32
      %mul3A_143 = arith.muli %scan3A_141, %mul3A_142 : i32
      %swap3A = arith.constant 3 : i32
      %swap3A_144 = arith.index_cast %swap3A : i32 to index
      %swap3A_145 = arith.index_cast %mul3A_143 : i32 to index
      %swap3A_146 = tpu.vector_load %arg9[%swap3A_144, %swap3A_145] {strides = array<i32>} : memref<16x4096xf32, #tpu.memory_space<vmem>>, vector<16xf32>,
      tpu.vector_store %arg9[%swap3A_144, %swap3A_145], %broadcast_in_dim3A_6 {strides = array<i32>} : memref<16x4096xf32, #tpu.memory_space<vmem>>, vector<16xf32>,
      %scan3A_147 = arith.constant 1 : i32
      %scan3A_148 = arith.addi %scan3A_141, %scan3A_147 : i32
      %mul3A_149 = arith.constant 16 : i32
      %mul3A_150 = arith.muli %scan3A_148, %mul3A_149 : i32
      %swap3A_151 = arith.constant 3 : i32
      %swap3A_152 = arith.index_cast %swap3A_151 : i32 to index
      %swap3A_153 = arith.index_cast %mul3A_150 : i32 to index
      %swap3A_154 = tpu.vector_load %arg9[%swap3A_152, %swap3A_153] {strides = array<i32>} : memref<16x4096xf32, #tpu.memory_space<vmem>>, vector<16xf32>,
      tpu.vector_store %arg9[%swap3A_152, %swap3A_153], %broadcast_in_dim3A_6 {strides = array<i32>} : memref<16x4096xf32, #tpu.memory_space<vmem>>, vector<16xf32>,
      %scan3A_155 = arith.constant 2 : i32
      %scan3A_156 = arith.addi %scan3A_141, %scan3A_155 : i32
      %mul3A_157 = arith.constant 16 : i32
      %mul3A_158 = arith.muli %scan3A_156, %mul3A_157 : i32
      %swap3A_159 = arith.constant 3 : i32
      %swap3A_160 = arith.index_cast %swap3A_159 : i32 to index
      %swap3A_161 = arith.index_cast %mul3A_158 : i32 to index
      %swap3A_162 = tpu.vector_load %arg9[%swap3A_160, %swap3A_161] {strides = array<i32>} : memref<16x4096xf32, #tpu.memory_space<vmem>>, vector<16xf32>,
      tpu.vector_store %arg9[%swap3A_160, %swap3A_161], %broadcast_in_dim3A_6 {strides = array<i32>} : memref<16x4096xf32, #tpu.memory_space<vmem>>, vector<16xf32>,
      %scan3A_163 = arith.constant 3 : i32
      %scan3A_164 = arith.addi %scan3A_141, %scan3A_163 : i32
      %mul3A_165 = arith.constant 16 : i32
      %mul3A_166 = arith.muli %scan3A_164, %mul3A_165 : i32
      %swap3A_167 = arith.constant 3 : i32
      %swap3A_168 = arith.index_cast %swap3A_167 : i32 to index
      %swap3A_169 = arith.index_cast %mul3A_166 : i32 to index
      %swap3A_170 = tpu.vector_load %arg9[%swap3A_168, %swap3A_169] {strides = array<i32>} : memref<16x4096xf32, #tpu.memory_space<vmem>>, vector<16xf32>,
      tpu.vector_store %arg9[%swap3A_168, %swap3A_169], %broadcast_in_dim3A_6 {strides = array<i32>} : memref<16x4096xf32, #tpu.memory_space<vmem>>, vector<16xf32>,
      %scan3A_171 = arith.constant 4 : i32
      %scan3A_172 = arith.addi %scan3A_141, %scan3A_171 : i32
      %mul3A_173 = arith.constant 16 : i32
      %mul3A_174 = arith.muli %scan3A_172, %mul3A_173 : i32
      %swap3A_175 = arith.constant 3 : i32
      %swap3A_176 = arith.index_cast %swap3A_175 : i32 to index
      %swap3A_177 = arith.index_cast %mul3A_174 : i32 to index
      %swap3A_178 = tpu.vector_load %arg9[%swap3A_176, %swap3A_177] {strides = array<i32>} : memref<16x4096xf32, #tpu.memory_space<vmem>>, vector<16xf32>,
      tpu.vector_store %arg9[%swap3A_176, %swap3A_177], %broadcast_in_dim3A_6 {strides = array<i32>} : memref<16x4096xf32, #tpu.memory_space<vmem>>, vector<16xf32>,
      %scan3A_179 = arith.constant 5 : i32
      %scan3A_180 = arith.addi %scan3A_141, %scan3A_179 : i32
      %mul3A_181 = arith.constant 16 : i32
      %mul3A_182 = arith.muli %scan3A_180, %mul3A_181 : i32
      %swap3A_183 = arith.constant 3 : i32
      %swap3A_184 = arith.index_cast %swap3A_183 : i32 to index
      %swap3A_185 = arith.index_cast %mul3A_182 : i32 to index
      %swap3A_186 = tpu.vector_load %arg9[%swap3A_184, %swap3A_185] {strides = array<i32>} : memref<16x4096xf32, #tpu.memory_space<vmem>>, vector<16xf32>,
      tpu.vector_store %arg9[%swap3A_184, %swap3A_185], %broadcast_in_dim3A_6 {strides = array<i32>} : memref<16x4096xf32, #tpu.memory_space<vmem>>, vector<16xf32>,
      %scan3A_187 = arith.constant 6 : i32
      %scan3A_188 = arith.addi %scan3A_141, %scan3A_187 : i32
      %mul3A_189 = arith.constant 16 : i32
      %mul3A_190 = arith.muli %scan3A_188, %mul3A_189 : i32
      %swap3A_191 = arith.constant 3 : i32
      %swap3A_192 = arith.index_cast %swap3A_191 : i32 to index
      %swap3A_193 = arith.index_cast %mul3A_190 : i32 to index
      %swap3A_194 = tpu.vector_load %arg9[%swap3A_192, %swap3A_193] {strides = array<i32>} : memref<16x4096xf32, #tpu.memory_space<vmem>>, vector<16xf32>,
      tpu.vector_store %arg9[%swap3A_192, %swap3A_193], %broadcast_in_dim3A_6 {strides = array<i32>} : memref<16x4096xf32, #tpu.memory_space<vmem>>, vector<16xf32>,
      %scan3A_195 = arith.constant 7 : i32
      %scan3A_196 = arith.addi %scan3A_141, %scan3A_195 : i32
      %mul3A_197 = arith.constant 16 : i32
      %mul3A_198 = arith.muli %scan3A_196, %mul3A_197 : i32
      %swap3A_199 = arith.constant 3 : i32
      %swap3A_200 = arith.index_cast %swap3A_199 : i32 to index
      %swap3A_201 = arith.index_cast %mul3A_198 : i32 to index
      %swap3A_202 = tpu.vector_load %arg9[%swap3A_200, %swap3A_201] {strides = array<i32>} : memref<16x4096xf32, #tpu.memory_space<vmem>>, vector<16xf32>,
      tpu.vector_store %arg9[%swap3A_200, %swap3A_201], %broadcast_in_dim3A_6 {strides = array<i32>} : memref<16x4096xf32, #tpu.memory_space<vmem>>, vector<16xf32>,
    }
    %scan3A_29 = arith.constant 256 : i32
    %scan3A_30 = arith.constant 0 : i32
    %scan3A_31 = arith.constant 0 : i32
    %scan3A_32 = arith.constant 256 : i32
    %scan3A_33 = arith.addi %scan3A_31, %scan3A_32 : i32
    %scan3A_34 = arith.constant 8 : i32
    scf.for %scan3A_141 = %scan3A_31 to %scan3A_33 step %scan3A_34  : i32 {
      %mul3A_142 = arith.constant 16 : i32
      %mul3A_143 = arith.muli %scan3A_141, %mul3A_142 : i32
      %swap3A = arith.constant 4 : i32
      %swap3A_144 = arith.index_cast %swap3A : i32 to index
      %swap3A_145 = arith.index_cast %mul3A_143 : i32 to index
      %swap3A_146 = tpu.vector_load %arg9[%swap3A_144, %swap3A_145] {strides = array<i32>} : memref<16x4096xf32, #tpu.memory_space<vmem>>, vector<16xf32>,
      tpu.vector_store %arg9[%swap3A_144, %swap3A_145], %broadcast_in_dim3A_6 {strides = array<i32>} : memref<16x4096xf32, #tpu.memory_space<vmem>>, vector<16xf32>,
      %scan3A_147 = arith.constant 1 : i32
      %scan3A_148 = arith.addi %scan3A_141, %scan3A_147 : i32
      %mul3A_149 = arith.constant 16 : i32
      %mul3A_150 = arith.muli %scan3A_148, %mul3A_149 : i32
      %swap3A_151 = arith.constant 4 : i32
      %swap3A_152 = arith.index_cast %swap3A_151 : i32 to index
      %swap3A_153 = arith.index_cast %mul3A_150 : i32 to index
      %swap3A_154 = tpu.vector_load %arg9[%swap3A_152, %swap3A_153] {strides = array<i32>} : memref<16x4096xf32, #tpu.memory_space<vmem>>, vector<16xf32>,
      tpu.vector_store %arg9[%swap3A_152, %swap3A_153], %broadcast_in_dim3A_6 {strides = array<i32>} : memref<16x4096xf32, #tpu.memory_space<vmem>>, vector<16xf32>,
      %scan3A_155 = arith.constant 2 : i32
      %scan3A_156 = arith.addi %scan3A_141, %scan3A_155 : i32
      %mul3A_157 = arith.constant 16 : i32
      %mul3A_158 = arith.muli %scan3A_156, %mul3A_157 : i32
      %swap3A_159 = arith.constant 4 : i32
      %swap3A_160 = arith.index_cast %swap3A_159 : i32 to index
      %swap3A_161 = arith.index_cast %mul3A_158 : i32 to index
      %swap3A_162 = tpu.vector_load %arg9[%swap3A_160, %swap3A_161] {strides = array<i32>} : memref<16x4096xf32, #tpu.memory_space<vmem>>, vector<16xf32>,
      tpu.vector_store %arg9[%swap3A_160, %swap3A_161], %broadcast_in_dim3A_6 {strides = array<i32>} : memref<16x4096xf32, #tpu.memory_space<vmem>>, vector<16xf32>,
      %scan3A_163 = arith.constant 3 : i32
      %scan3A_164 = arith.addi %scan3A_141, %scan3A_163 : i32
      %mul3A_165 = arith.constant 16 : i32
      %mul3A_166 = arith.muli %scan3A_164, %mul3A_165 : i32
      %swap3A_167 = arith.constant 4 : i32
      %swap3A_168 = arith.index_cast %swap3A_167 : i32 to index
      %swap3A_169 = arith.index_cast %mul3A_166 : i32 to index
      %swap3A_170 = tpu.vector_load %arg9[%swap3A_168, %swap3A_169] {strides = array<i32>} : memref<16x4096xf32, #tpu.memory_space<vmem>>, vector<16xf32>,
      tpu.vector_store %arg9[%swap3A_168, %swap3A_169], %broadcast_in_dim3A_6 {strides = array<i32>} : memref<16x4096xf32, #tpu.memory_space<vmem>>, vector<16xf32>,
      %scan3A_171 = arith.constant 4 : i32
      %scan3A_172 = arith.addi %scan3A_141, %scan3A_171 : i32
      %mul3A_173 = arith.constant 16 : i32
      %mul3A_174 = arith.muli %scan3A_172, %mul3A_173 : i32
      %swap3A_175 = arith.constant 4 : i32
      %swap3A_176 = arith.index_cast %swap3A_175 : i32 to index
      %swap3A_177 = arith.index_cast %mul3A_174 : i32 to index
      %swap3A_178 = tpu.vector_load %arg9[%swap3A_176, %swap3A_177] {strides = array<i32>} : memref<16x4096xf32, #tpu.memory_space<vmem>>, vector<16xf32>,
      tpu.vector_store %arg9[%swap3A_176, %swap3A_177], %broadcast_in_dim3A_6 {strides = array<i32>} : memref<16x4096xf32, #tpu.memory_space<vmem>>, vector<16xf32>,
      %scan3A_179 = arith.constant 5 : i32
      %scan3A_180 = arith.addi %scan3A_141, %scan3A_179 : i32
      %mul3A_181 = arith.constant 16 : i32
      %mul3A_182 = arith.muli %scan3A_180, %mul3A_181 : i32
      %swap3A_183 = arith.constant 4 : i32
      %swap3A_184 = arith.index_cast %swap3A_183 : i32 to index
      %swap3A_185 = arith.index_cast %mul3A_182 : i32 to index
      %swap3A_186 = tpu.vector_load %arg9[%swap3A_184, %swap3A_185] {strides = array<i32>} : memref<16x4096xf32, #tpu.memory_space<vmem>>, vector<16xf32>,
      tpu.vector_store %arg9[%swap3A_184, %swap3A_185], %broadcast_in_dim3A_6 {strides = array<i32>} : memref<16x4096xf32, #tpu.memory_space<vmem>>, vector<16xf32>,
      %scan3A_187 = arith.constant 6 : i32
      %scan3A_188 = arith.addi %scan3A_141, %scan3A_187 : i32
      %mul3A_189 = arith.constant 16 : i32
      %mul3A_190 = arith.muli %scan3A_188, %mul3A_189 : i32
      %swap3A_191 = arith.constant 4 : i32
      %swap3A_192 = arith.index_cast %swap3A_191 : i32 to index
      %swap3A_193 = arith.index_cast %mul3A_190 : i32 to index
      %swap3A_194 = tpu.vector_load %arg9[%swap3A_192, %swap3A_193] {strides = array<i32>} : memref<16x4096xf32, #tpu.memory_space<vmem>>, vector<16xf32>,
      tpu.vector_store %arg9[%swap3A_192, %swap3A_193], %broadcast_in_dim3A_6 {strides = array<i32>} : memref<16x4096xf32, #tpu.memory_space<vmem>>, vector<16xf32>,
      %scan3A_195 = arith.constant 7 : i32
      %scan3A_196 = arith.addi %scan3A_141, %scan3A_195 : i32
      %mul3A_197 = arith.constant 16 : i32
      %mul3A_198 = arith.muli %scan3A_196, %mul3A_197 : i32
      %swap3A_199 = arith.constant 4 : i32
      %swap3A_200 = arith.index_cast %swap3A_199 : i32 to index
      %swap3A_201 = arith.index_cast %mul3A_198 : i32 to index
      %swap3A_202 = tpu.vector_load %arg9[%swap3A_200, %swap3A_201] {strides = array<i32>} : memref<16x4096xf32, #tpu.memory_space<vmem>>, vector<16xf32>,
      tpu.vector_store %arg9[%swap3A_200, %swap3A_201], %broadcast_in_dim3A_6 {strides = array<i32>} : memref<16x4096xf32, #tpu.memory_space<vmem>>, vector<16xf32>,
    }
    %scan3A_35 = arith.constant 256 : i32
    %scan3A_36 = arith.constant 0 : i32
    %scan3A_37 = arith.constant 0 : i32
    %scan3A_38 = arith.constant 256 : i32
    %scan3A_39 = arith.addi %scan3A_37, %scan3A_38 : i32
    %scan3A_40 = arith.constant 8 : i32
    scf.for %scan3A_141 = %scan3A_37 to %scan3A_39 step %scan3A_40  : i32 {
      %mul3A_142 = arith.constant 16 : i32
      %mul3A_143 = arith.muli %scan3A_141, %mul3A_142 : i32
      %swap3A = arith.constant 5 : i32
      %swap3A_144 = arith.index_cast %swap3A : i32 to index
      %swap3A_145 = arith.index_cast %mul3A_143 : i32 to index
      %swap3A_146 = tpu.vector_load %arg9[%swap3A_144, %swap3A_145] {strides = array<i32>} : memref<16x4096xf32, #tpu.memory_space<vmem>>, vector<16xf32>,
      tpu.vector_store %arg9[%swap3A_144, %swap3A_145], %broadcast_in_dim3A_6 {strides = array<i32>} : memref<16x4096xf32, #tpu.memory_space<vmem>>, vector<16xf32>,
      %scan3A_147 = arith.constant 1 : i32
      %scan3A_148 = arith.addi %scan3A_141, %scan3A_147 : i32
      %mul3A_149 = arith.constant 16 : i32
      %mul3A_150 = arith.muli %scan3A_148, %mul3A_149 : i32
      %swap3A_151 = arith.constant 5 : i32
      %swap3A_152 = arith.index_cast %swap3A_151 : i32 to index
      %swap3A_153 = arith.index_cast %mul3A_150 : i32 to index
      %swap3A_154 = tpu.vector_load %arg9[%swap3A_152, %swap3A_153] {strides = array<i32>} : memref<16x4096xf32, #tpu.memory_space<vmem>>, vector<16xf32>,
      tpu.vector_store %arg9[%swap3A_152, %swap3A_153], %broadcast_in_dim3A_6 {strides = array<i32>} : memref<16x4096xf32, #tpu.memory_space<vmem>>, vector<16xf32>,
      %scan3A_155 = arith.constant 2 : i32
      %scan3A_156 = arith.addi %scan3A_141, %scan3A_155 : i32
      %mul3A_157 = arith.constant 16 : i32
      %mul3A_158 = arith.muli %scan3A_156, %mul3A_157 : i32
      %swap3A_159 = arith.constant 5 : i32
      %swap3A_160 = arith.index_cast %swap3A_159 : i32 to index
      %swap3A_161 = arith.index_cast %mul3A_158 : i32 to index
      %swap3A_162 = tpu.vector_load %arg9[%swap3A_160, %swap3A_161] {strides = array<i32>} : memref<16x4096xf32, #tpu.memory_space<vmem>>, vector<16xf32>,
      tpu.vector_store %arg9[%swap3A_160, %swap3A_161], %broadcast_in_dim3A_6 {strides = array<i32>} : memref<16x4096xf32, #tpu.memory_space<vmem>>, vector<16xf32>,
      %scan3A_163 = arith.constant 3 : i32
      %scan3A_164 = arith.addi %scan3A_141, %scan3A_163 : i32
      %mul3A_165 = arith.constant 16 : i32
      %mul3A_166 = arith.muli %scan3A_164, %mul3A_165 : i32
      %swap3A_167 = arith.constant 5 : i32
      %swap3A_168 = arith.index_cast %swap3A_167 : i32 to index
      %swap3A_169 = arith.index_cast %mul3A_166 : i32 to index
      %swap3A_170 = tpu.vector_load %arg9[%swap3A_168, %swap3A_169] {strides = array<i32>} : memref<16x4096xf32, #tpu.memory_space<vmem>>, vector<16xf32>,
      tpu.vector_store %arg9[%swap3A_168, %swap3A_169], %broadcast_in_dim3A_6 {strides = array<i32>} : memref<16x4096xf32, #tpu.memory_space<vmem>>, vector<16xf32>,
      %scan3A_171 = arith.constant 4 : i32
      %scan3A_172 = arith.addi %scan3A_141, %scan3A_171 : i32
      %mul3A_173 = arith.constant 16 : i32
      %mul3A_174 = arith.muli %scan3A_172, %mul3A_173 : i32
      %swap3A_175 = arith.constant 5 : i32
      %swap3A_176 = arith.index_cast %swap3A_175 : i32 to index
      %swap3A_177 = arith.index_cast %mul3A_174 : i32 to index
      %swap3A_178 = tpu.vector_load %arg9[%swap3A_176, %swap3A_177] {strides = array<i32>} : memref<16x4096xf32, #tpu.memory_space<vmem>>, vector<16xf32>,
      tpu.vector_store %arg9[%swap3A_176, %swap3A_177], %broadcast_in_dim3A_6 {strides = array<i32>} : memref<16x4096xf32, #tpu.memory_space<vmem>>, vector<16xf32>,
      %scan3A_179 = arith.constant 5 : i32
      %scan3A_180 = arith.addi %scan3A_141, %scan3A_179 : i32
      %mul3A_181 = arith.constant 16 : i32
      %mul3A_182 = arith.muli %scan3A_180, %mul3A_181 : i32
      %swap3A_183 = arith.constant 5 : i32
      %swap3A_184 = arith.index_cast %swap3A_183 : i32 to index
      %swap3A_185 = arith.index_cast %mul3A_182 : i32 to index
      %swap3A_186 = tpu.vector_load %arg9[%swap3A_184, %swap3A_185] {strides = array<i32>} : memref<16x4096xf32, #tpu.memory_space<vmem>>, vector<16xf32>,
      tpu.vector_store %arg9[%swap3A_184, %swap3A_185], %broadcast_in_dim3A_6 {strides = array<i32>} : memref<16x4096xf32, #tpu.memory_space<vmem>>, vector<16xf32>,
      %scan3A_187 = arith.constant 6 : i32
      %scan3A_188 = arith.addi %scan3A_141, %scan3A_187 : i32
      %mul3A_189 = arith.constant 16 : i32
      %mul3A_190 = arith.muli %scan3A_188, %mul3A_189 : i32
      %swap3A_191 = arith.constant 5 : i32
      %swap3A_192 = arith.index_cast %swap3A_191 : i32 to index
      %swap3A_193 = arith.index_cast %mul3A_190 : i32 to index
      %swap3A_194 = tpu.vector_load %arg9[%swap3A_192, %swap3A_193] {strides = array<i32>} : memref<16x4096xf32, #tpu.memory_space<vmem>>, vector<16xf32>,
      tpu.vector_store %arg9[%swap3A_192, %swap3A_193], %broadcast_in_dim3A_6 {strides = array<i32>} : memref<16x4096xf32, #tpu.memory_space<vmem>>, vector<16xf32>,
      %scan3A_195 = arith.constant 7 : i32
      %scan3A_196 = arith.addi %scan3A_141, %scan3A_195 : i32
      %mul3A_197 = arith.constant 16 : i32
      %mul3A_198 = arith.muli %scan3A_196, %mul3A_197 : i32
      %swap3A_199 = arith.constant 5 : i32
      %swap3A_200 = arith.index_cast %swap3A_199 : i32 to index
      %swap3A_201 = arith.index_cast %mul3A_198 : i32 to index
      %swap3A_202 = tpu.vector_load %arg9[%swap3A_200, %swap3A_201] {strides = array<i32>} : memref<16x4096xf32, #tpu.memory_space<vmem>>, vector<16xf32>,
      tpu.vector_store %arg9[%swap3A_200, %swap3A_201], %broadcast_in_dim3A_6 {strides = array<i32>} : memref<16x4096xf32, #tpu.memory_space<vmem>>, vector<16xf32>,
    }
    %scan3A_41 = arith.constant 256 : i32
    %scan3A_42 = arith.constant 0 : i32
    %scan3A_43 = arith.constant 0 : i32
    %scan3A_44 = arith.constant 256 : i32
    %scan3A_45 = arith.addi %scan3A_43, %scan3A_44 : i32
    %scan3A_46 = arith.constant 8 : i32
    scf.for %scan3A_141 = %scan3A_43 to %scan3A_45 step %scan3A_46  : i32 {
      %mul3A_142 = arith.constant 16 : i32
      %mul3A_143 = arith.muli %scan3A_141, %mul3A_142 : i32
      %swap3A = arith.constant 6 : i32
      %swap3A_144 = arith.index_cast %swap3A : i32 to index
      %swap3A_145 = arith.index_cast %mul3A_143 : i32 to index
      %swap3A_146 = tpu.vector_load %arg9[%swap3A_144, %swap3A_145] {strides = array<i32>} : memref<16x4096xf32, #tpu.memory_space<vmem>>, vector<16xf32>,
      tpu.vector_store %arg9[%swap3A_144, %swap3A_145], %broadcast_in_dim3A_6 {strides = array<i32>} : memref<16x4096xf32, #tpu.memory_space<vmem>>, vector<16xf32>,
      %scan3A_147 = arith.constant 1 : i32
      %scan3A_148 = arith.addi %scan3A_141, %scan3A_147 : i32
      %mul3A_149 = arith.constant 16 : i32
      %mul3A_150 = arith.muli %scan3A_148, %mul3A_149 : i32
      %swap3A_151 = arith.constant 6 : i32
      %swap3A_152 = arith.index_cast %swap3A_151 : i32 to index
      %swap3A_153 = arith.index_cast %mul3A_150 : i32 to index
      %swap3A_154 = tpu.vector_load %arg9[%swap3A_152, %swap3A_153] {strides = array<i32>} : memref<16x4096xf32, #tpu.memory_space<vmem>>, vector<16xf32>,
      tpu.vector_store %arg9[%swap3A_152, %swap3A_153], %broadcast_in_dim3A_6 {strides = array<i32>} : memref<16x4096xf32, #tpu.memory_space<vmem>>, vector<16xf32>,
      %scan3A_155 = arith.constant 2 : i32
      %scan3A_156 = arith.addi %scan3A_141, %scan3A_155 : i32
      %mul3A_157 = arith.constant 16 : i32
      %mul3A_158 = arith.muli %scan3A_156, %mul3A_157 : i32
      %swap3A_159 = arith.constant 6 : i32
      %swap3A_160 = arith.index_cast %swap3A_159 : i32 to index
      %swap3A_161 = arith.index_cast %mul3A_158 : i32 to index
      %swap3A_162 = tpu.vector_load %arg9[%swap3A_160, %swap3A_161] {strides = array<i32>} : memref<16x4096xf32, #tpu.memory_space<vmem>>, vector<16xf32>,
      tpu.vector_store %arg9[%swap3A_160, %swap3A_161], %broadcast_in_dim3A_6 {strides = array<i32>} : memref<16x4096xf32, #tpu.memory_space<vmem>>, vector<16xf32>,
      %scan3A_163 = arith.constant 3 : i32
      %scan3A_164 = arith.addi %scan3A_141, %scan3A_163 : i32
      %mul3A_165 = arith.constant 16 : i32
      %mul3A_166 = arith.muli %scan3A_164, %mul3A_165 : i32
      %swap3A_167 = arith.constant 6 : i32
      %swap3A_168 = arith.index_cast %swap3A_167 : i32 to index
      %swap3A_169 = arith.index_cast %mul3A_166 : i32 to index
      %swap3A_170 = tpu.vector_load %arg9[%swap3A_168, %swap3A_169] {strides = array<i32>} : memref<16x4096xf32, #tpu.memory_space<vmem>>, vector<16xf32>,
      tpu.vector_store %arg9[%swap3A_168, %swap3A_169], %broadcast_in_dim3A_6 {strides = array<i32>} : memref<16x4096xf32, #tpu.memory_space<vmem>>, vector<16xf32>,
      %scan3A_171 = arith.constant 4 : i32
      %scan3A_172 = arith.addi %scan3A_141, %scan3A_171 : i32
      %mul3A_173 = arith.constant 16 : i32
      %mul3A_174 = arith.muli %scan3A_172, %mul3A_173 : i32
      %swap3A_175 = arith.constant 6 : i32
      %swap3A_176 = arith.index_cast %swap3A_175 : i32 to index
      %swap3A_177 = arith.index_cast %mul3A_174 : i32 to index
      %swap3A_178 = tpu.vector_load %arg9[%swap3A_176, %swap3A_177] {strides = array<i32>} : memref<16x4096xf32, #tpu.memory_space<vmem>>, vector<16xf32>,
      tpu.vector_store %arg9[%swap3A_176, %swap3A_177], %broadcast_in_dim3A_6 {strides = array<i32>} : memref<16x4096xf32, #tpu.memory_space<vmem>>, vector<16xf32>,
      %scan3A_179 = arith.constant 5 : i32
      %scan3A_180 = arith.addi %scan3A_141, %scan3A_179 : i32
      %mul3A_181 = arith.constant 16 : i32
      %mul3A_182 = arith.muli %scan3A_180, %mul3A_181 : i32
      %swap3A_183 = arith.constant 6 : i32
      %swap3A_184 = arith.index_cast %swap3A_183 : i32 to index
      %swap3A_185 = arith.index_cast %mul3A_182 : i32 to index
      %swap3A_186 = tpu.vector_load %arg9[%swap3A_184, %swap3A_185] {strides = array<i32>} : memref<16x4096xf32, #tpu.memory_space<vmem>>, vector<16xf32>,
      tpu.vector_store %arg9[%swap3A_184, %swap3A_185], %broadcast_in_dim3A_6 {strides = array<i32>} : memref<16x4096xf32, #tpu.memory_space<vmem>>, vector<16xf32>,
      %scan3A_187 = arith.constant 6 : i32
      %scan3A_188 = arith.addi %scan3A_141, %scan3A_187 : i32
      %mul3A_189 = arith.constant 16 : i32
      %mul3A_190 = arith.muli %scan3A_188, %mul3A_189 : i32
      %swap3A_191 = arith.constant 6 : i32
      %swap3A_192 = arith.index_cast %swap3A_191 : i32 to index
      %swap3A_193 = arith.index_cast %mul3A_190 : i32 to index
      %swap3A_194 = tpu.vector_load %arg9[%swap3A_192, %swap3A_193] {strides = array<i32>} : memref<16x4096xf32, #tpu.memory_space<vmem>>, vector<16xf32>,
      tpu.vector_store %arg9[%swap3A_192, %swap3A_193], %broadcast_in_dim3A_6 {strides = array<i32>} : memref<16x4096xf32, #tpu.memory_space<vmem>>, vector<16xf32>,
      %scan3A_195 = arith.constant 7 : i32
      %scan3A_196 = arith.addi %scan3A_141, %scan3A_195 : i32
      %mul3A_197 = arith.constant 16 : i32
      %mul3A_198 = arith.muli %scan3A_196, %mul3A_197 : i32
      %swap3A_199 = arith.constant 6 : i32
      %swap3A_200 = arith.index_cast %swap3A_199 : i32 to index
      %swap3A_201 = arith.index_cast %mul3A_198 : i32 to index
      %swap3A_202 = tpu.vector_load %arg9[%swap3A_200, %swap3A_201] {strides = array<i32>} : memref<16x4096xf32, #tpu.memory_space<vmem>>, vector<16xf32>,
      tpu.vector_store %arg9[%swap3A_200, %swap3A_201], %broadcast_in_dim3A_6 {strides = array<i32>} : memref<16x4096xf32, #tpu.memory_space<vmem>>, vector<16xf32>,
    }
    %scan3A_47 = arith.constant 256 : i32
    %scan3A_48 = arith.constant 0 : i32
    %scan3A_49 = arith.constant 0 : i32
    %scan3A_50 = arith.constant 256 : i32
    %scan3A_51 = arith.addi %scan3A_49, %scan3A_50 : i32
    %scan3A_52 = arith.constant 8 : i32
    scf.for %scan3A_141 = %scan3A_49 to %scan3A_51 step %scan3A_52  : i32 {
      %mul3A_142 = arith.constant 16 : i32
      %mul3A_143 = arith.muli %scan3A_141, %mul3A_142 : i32
      %swap3A = arith.constant 7 : i32
      %swap3A_144 = arith.index_cast %swap3A : i32 to index
      %swap3A_145 = arith.index_cast %mul3A_143 : i32 to index
      %swap3A_146 = tpu.vector_load %arg9[%swap3A_144, %swap3A_145] {strides = array<i32>} : memref<16x4096xf32, #tpu.memory_space<vmem>>, vector<16xf32>,
      tpu.vector_store %arg9[%swap3A_144, %swap3A_145], %broadcast_in_dim3A_6 {strides = array<i32>} : memref<16x4096xf32, #tpu.memory_space<vmem>>, vector<16xf32>,
      %scan3A_147 = arith.constant 1 : i32
      %scan3A_148 = arith.addi %scan3A_141, %scan3A_147 : i32
      %mul3A_149 = arith.constant 16 : i32
      %mul3A_150 = arith.muli %scan3A_148, %mul3A_149 : i32
      %swap3A_151 = arith.constant 7 : i32
      %swap3A_152 = arith.index_cast %swap3A_151 : i32 to index
      %swap3A_153 = arith.index_cast %mul3A_150 : i32 to index
      %swap3A_154 = tpu.vector_load %arg9[%swap3A_152, %swap3A_153] {strides = array<i32>} : memref<16x4096xf32, #tpu.memory_space<vmem>>, vector<16xf32>,
      tpu.vector_store %arg9[%swap3A_152, %swap3A_153], %broadcast_in_dim3A_6 {strides = array<i32>} : memref<16x4096xf32, #tpu.memory_space<vmem>>, vector<16xf32>,
      %scan3A_155 = arith.constant 2 : i32
      %scan3A_156 = arith.addi %scan3A_141, %scan3A_155 : i32
      %mul3A_157 = arith.constant 16 : i32
      %mul3A_158 = arith.muli %scan3A_156, %mul3A_157 : i32
      %swap3A_159 = arith.constant 7 : i32
      %swap3A_160 = arith.index_cast %swap3A_159 : i32 to index
      %swap3A_161 = arith.index_cast %mul3A_158 : i32 to index
      %swap3A_162 = tpu.vector_load %arg9[%swap3A_160, %swap3A_161] {strides = array<i32>} : memref<16x4096xf32, #tpu.memory_space<vmem>>, vector<16xf32>,
      tpu.vector_store %arg9[%swap3A_160, %swap3A_161], %broadcast_in_dim3A_6 {strides = array<i32>} : memref<16x4096xf32, #tpu.memory_space<vmem>>, vector<16xf32>,
      %scan3A_163 = arith.constant 3 : i32
      %scan3A_164 = arith.addi %scan3A_141, %scan3A_163 : i32
      %mul3A_165 = arith.constant 16 : i32
      %mul3A_166 = arith.muli %scan3A_164, %mul3A_165 : i32
      %swap3A_167 = arith.constant 7 : i32
      %swap3A_168 = arith.index_cast %swap3A_167 : i32 to index
      %swap3A_169 = arith.index_cast %mul3A_166 : i32 to index
      %swap3A_170 = tpu.vector_load %arg9[%swap3A_168, %swap3A_169] {strides = array<i32>} : memref<16x4096xf32, #tpu.memory_space<vmem>>, vector<16xf32>,
      tpu.vector_store %arg9[%swap3A_168, %swap3A_169], %broadcast_in_dim3A_6 {strides = array<i32>} : memref<16x4096xf32, #tpu.memory_space<vmem>>, vector<16xf32>,
      %scan3A_171 = arith.constant 4 : i32
      %scan3A_172 = arith.addi %scan3A_141, %scan3A_171 : i32
      %mul3A_173 = arith.constant 16 : i32
      %mul3A_174 = arith.muli %scan3A_172, %mul3A_173 : i32
      %swap3A_175 = arith.constant 7 : i32
      %swap3A_176 = arith.index_cast %swap3A_175 : i32 to index
      %swap3A_177 = arith.index_cast %mul3A_174 : i32 to index
      %swap3A_178 = tpu.vector_load %arg9[%swap3A_176, %swap3A_177] {strides = array<i32>} : memref<16x4096xf32, #tpu.memory_space<vmem>>, vector<16xf32>,
      tpu.vector_store %arg9[%swap3A_176, %swap3A_177], %broadcast_in_dim3A_6 {strides = array<i32>} : memref<16x4096xf32, #tpu.memory_space<vmem>>, vector<16xf32>,
      %scan3A_179 = arith.constant 5 : i32
      %scan3A_180 = arith.addi %scan3A_141, %scan3A_179 : i32
      %mul3A_181 = arith.constant 16 : i32
      %mul3A_182 = arith.muli %scan3A_180, %mul3A_181 : i32
      %swap3A_183 = arith.constant 7 : i32
      %swap3A_184 = arith.index_cast %swap3A_183 : i32 to index
      %swap3A_185 = arith.index_cast %mul3A_182 : i32 to index
      %swap3A_186 = tpu.vector_load %arg9[%swap3A_184, %swap3A_185] {strides = array<i32>} : memref<16x4096xf32, #tpu.memory_space<vmem>>, vector<16xf32>,
      tpu.vector_store %arg9[%swap3A_184, %swap3A_185], %broadcast_in_dim3A_6 {strides = array<i32>} : memref<16x4096xf32, #tpu.memory_space<vmem>>, vector<16xf32>,
      %scan3A_187 = arith.constant 6 : i32
      %scan3A_188 = arith.addi %scan3A_141, %scan3A_187 : i32
      %mul3A_189 = arith.constant 16 : i32
      %mul3A_190 = arith.muli %scan3A_188, %mul3A_189 : i32
      %swap3A_191 = arith.constant 7 : i32
      %swap3A_192 = arith.index_cast %swap3A_191 : i32 to index
      %swap3A_193 = arith.index_cast %mul3A_190 : i32 to index
      %swap3A_194 = tpu.vector_load %arg9[%swap3A_192, %swap3A_193] {strides = array<i32>} : memref<16x4096xf32, #tpu.memory_space<vmem>>, vector<16xf32>,
      tpu.vector_store %arg9[%swap3A_192, %swap3A_193], %broadcast_in_dim3A_6 {strides = array<i32>} : memref<16x4096xf32, #tpu.memory_space<vmem>>, vector<16xf32>,
      %scan3A_195 = arith.constant 7 : i32
      %scan3A_196 = arith.addi %scan3A_141, %scan3A_195 : i32
      %mul3A_197 = arith.constant 16 : i32
      %mul3A_198 = arith.muli %scan3A_196, %mul3A_197 : i32
      %swap3A_199 = arith.constant 7 : i32
      %swap3A_200 = arith.index_cast %swap3A_199 : i32 to index
      %swap3A_201 = arith.index_cast %mul3A_198 : i32 to index
      %swap3A_202 = tpu.vector_load %arg9[%swap3A_200, %swap3A_201] {strides = array<i32>} : memref<16x4096xf32, #tpu.memory_space<vmem>>, vector<16xf32>,
      tpu.vector_store %arg9[%swap3A_200, %swap3A_201], %broadcast_in_dim3A_6 {strides = array<i32>} : memref<16x4096xf32, #tpu.memory_space<vmem>>, vector<16xf32>,
    }
    %scan3A_53 = arith.constant 256 : i32
    %scan3A_54 = arith.constant 0 : i32
    %scan3A_55 = arith.constant 0 : i32
    %scan3A_56 = arith.constant 256 : i32
    %scan3A_57 = arith.addi %scan3A_55, %scan3A_56 : i32
    %scan3A_58 = arith.constant 8 : i32
    scf.for %scan3A_141 = %scan3A_55 to %scan3A_57 step %scan3A_58  : i32 {
      %mul3A_142 = arith.constant 16 : i32
      %mul3A_143 = arith.muli %scan3A_141, %mul3A_142 : i32
      %swap3A = arith.constant 8 : i32
      %swap3A_144 = arith.index_cast %swap3A : i32 to index
      %swap3A_145 = arith.index_cast %mul3A_143 : i32 to index
      %swap3A_146 = tpu.vector_load %arg9[%swap3A_144, %swap3A_145] {strides = array<i32>} : memref<16x4096xf32, #tpu.memory_space<vmem>>, vector<16xf32>,
      tpu.vector_store %arg9[%swap3A_144, %swap3A_145], %broadcast_in_dim3A_6 {strides = array<i32>} : memref<16x4096xf32, #tpu.memory_space<vmem>>, vector<16xf32>,
      %scan3A_147 = arith.constant 1 : i32
      %scan3A_148 = arith.addi %scan3A_141, %scan3A_147 : i32
      %mul3A_149 = arith.constant 16 : i32
      %mul3A_150 = arith.muli %scan3A_148, %mul3A_149 : i32
      %swap3A_151 = arith.constant 8 : i32
      %swap3A_152 = arith.index_cast %swap3A_151 : i32 to index
      %swap3A_153 = arith.index_cast %mul3A_150 : i32 to index
      %swap3A_154 = tpu.vector_load %arg9[%swap3A_152, %swap3A_153] {strides = array<i32>} : memref<16x4096xf32, #tpu.memory_space<vmem>>, vector<16xf32>,
      tpu.vector_store %arg9[%swap3A_152, %swap3A_153], %broadcast_in_dim3A_6 {strides = array<i32>} : memref<16x4096xf32, #tpu.memory_space<vmem>>, vector<16xf32>,
      %scan3A_155 = arith.constant 2 : i32
      %scan3A_156 = arith.addi %scan3A_141, %scan3A_155 : i32
      %mul3A_157 = arith.constant 16 : i32
      %mul3A_158 = arith.muli %scan3A_156, %mul3A_157 : i32
      %swap3A_159 = arith.constant 8 : i32
      %swap3A_160 = arith.index_cast %swap3A_159 : i32 to index
      %swap3A_161 = arith.index_cast %mul3A_158 : i32 to index
      %swap3A_162 = tpu.vector_load %arg9[%swap3A_160, %swap3A_161] {strides = array<i32>} : memref<16x4096xf32, #tpu.memory_space<vmem>>, vector<16xf32>,
      tpu.vector_store %arg9[%swap3A_160, %swap3A_161], %broadcast_in_dim3A_6 {strides = array<i32>} : memref<16x4096xf32, #tpu.memory_space<vmem>>, vector<16xf32>,
      %scan3A_163 = arith.constant 3 : i32
      %scan3A_164 = arith.addi %scan3A_141, %scan3A_163 : i32
      %mul3A_165 = arith.constant 16 : i32
      %mul3A_166 = arith.muli %scan3A_164, %mul3A_165 : i32
      %swap3A_167 = arith.constant 8 : i32
      %swap3A_168 = arith.index_cast %swap3A_167 : i32 to index
      %swap3A_169 = arith.index_cast %mul3A_166 : i32 to index
      %swap3A_170 = tpu.vector_load %arg9[%swap3A_168, %swap3A_169] {strides = array<i32>} : memref<16x4096xf32, #tpu.memory_space<vmem>>, vector<16xf32>,
      tpu.vector_store %arg9[%swap3A_168, %swap3A_169], %broadcast_in_dim3A_6 {strides = array<i32>} : memref<16x4096xf32, #tpu.memory_space<vmem>>, vector<16xf32>,
      %scan3A_171 = arith.constant 4 : i32
      %scan3A_172 = arith.addi %scan3A_141, %scan3A_171 : i32
      %mul3A_173 = arith.constant 16 : i32
      %mul3A_174 = arith.muli %scan3A_172, %mul3A_173 : i32
      %swap3A_175 = arith.constant 8 : i32
      %swap3A_176 = arith.index_cast %swap3A_175 : i32 to index
      %swap3A_177 = arith.index_cast %mul3A_174 : i32 to index
      %swap3A_178 = tpu.vector_load %arg9[%swap3A_176, %swap3A_177] {strides = array<i32>} : memref<16x4096xf32, #tpu.memory_space<vmem>>, vector<16xf32>,
      tpu.vector_store %arg9[%swap3A_176, %swap3A_177], %broadcast_in_dim3A_6 {strides = array<i32>} : memref<16x4096xf32, #tpu.memory_space<vmem>>, vector<16xf32>,
      %scan3A_179 = arith.constant 5 : i32
      %scan3A_180 = arith.addi %scan3A_141, %scan3A_179 : i32
      %mul3A_181 = arith.constant 16 : i32
      %mul3A_182 = arith.muli %scan3A_180, %mul3A_181 : i32
      %swap3A_183 = arith.constant 8 : i32
      %swap3A_184 = arith.index_cast %swap3A_183 : i32 to index
      %swap3A_185 = arith.index_cast %mul3A_182 : i32 to index
      %swap3A_186 = tpu.vector_load %arg9[%swap3A_184, %swap3A_185] {strides = array<i32>} : memref<16x4096xf32, #tpu.memory_space<vmem>>, vector<16xf32>,
      tpu.vector_store %arg9[%swap3A_184, %swap3A_185], %broadcast_in_dim3A_6 {strides = array<i32>} : memref<16x4096xf32, #tpu.memory_space<vmem>>, vector<16xf32>,
      %scan3A_187 = arith.constant 6 : i32
      %scan3A_188 = arith.addi %scan3A_141, %scan3A_187 : i32
      %mul3A_189 = arith.constant 16 : i32
      %mul3A_190 = arith.muli %scan3A_188, %mul3A_189 : i32
      %swap3A_191 = arith.constant 8 : i32
      %swap3A_192 = arith.index_cast %swap3A_191 : i32 to index
      %swap3A_193 = arith.index_cast %mul3A_190 : i32 to index
      %swap3A_194 = tpu.vector_load %arg9[%swap3A_192, %swap3A_193] {strides = array<i32>} : memref<16x4096xf32, #tpu.memory_space<vmem>>, vector<16xf32>,
      tpu.vector_store %arg9[%swap3A_192, %swap3A_193], %broadcast_in_dim3A_6 {strides = array<i32>} : memref<16x4096xf32, #tpu.memory_space<vmem>>, vector<16xf32>,
      %scan3A_195 = arith.constant 7 : i32
      %scan3A_196 = arith.addi %scan3A_141, %scan3A_195 : i32
      %mul3A_197 = arith.constant 16 : i32
      %mul3A_198 = arith.muli %scan3A_196, %mul3A_197 : i32
      %swap3A_199 = arith.constant 8 : i32
      %swap3A_200 = arith.index_cast %swap3A_199 : i32 to index
      %swap3A_201 = arith.index_cast %mul3A_198 : i32 to index
      %swap3A_202 = tpu.vector_load %arg9[%swap3A_200, %swap3A_201] {strides = array<i32>} : memref<16x4096xf32, #tpu.memory_space<vmem>>, vector<16xf32>,
      tpu.vector_store %arg9[%swap3A_200, %swap3A_201], %broadcast_in_dim3A_6 {strides = array<i32>} : memref<16x4096xf32, #tpu.memory_space<vmem>>, vector<16xf32>,
    }
    %scan3A_59 = arith.constant 256 : i32
    %scan3A_60 = arith.constant 0 : i32
    %scan3A_61 = arith.constant 0 : i32
    %scan3A_62 = arith.constant 256 : i32
    %scan3A_63 = arith.addi %scan3A_61, %scan3A_62 : i32
    %scan3A_64 = arith.constant 8 : i32
    scf.for %scan3A_141 = %scan3A_61 to %scan3A_63 step %scan3A_64  : i32 {
      %mul3A_142 = arith.constant 16 : i32
      %mul3A_143 = arith.muli %scan3A_141, %mul3A_142 : i32
      %swap3A = arith.constant 9 : i32
      %swap3A_144 = arith.index_cast %swap3A : i32 to index
      %swap3A_145 = arith.index_cast %mul3A_143 : i32 to index
      %swap3A_146 = tpu.vector_load %arg9[%swap3A_144, %swap3A_145] {strides = array<i32>} : memref<16x4096xf32, #tpu.memory_space<vmem>>, vector<16xf32>,
      tpu.vector_store %arg9[%swap3A_144, %swap3A_145], %broadcast_in_dim3A_6 {strides = array<i32>} : memref<16x4096xf32, #tpu.memory_space<vmem>>, vector<16xf32>,
      %scan3A_147 = arith.constant 1 : i32
      %scan3A_148 = arith.addi %scan3A_141, %scan3A_147 : i32
      %mul3A_149 = arith.constant 16 : i32
      %mul3A_150 = arith.muli %scan3A_148, %mul3A_149 : i32
      %swap3A_151 = arith.constant 9 : i32
      %swap3A_152 = arith.index_cast %swap3A_151 : i32 to index
      %swap3A_153 = arith.index_cast %mul3A_150 : i32 to index
      %swap3A_154 = tpu.vector_load %arg9[%swap3A_152, %swap3A_153] {strides = array<i32>} : memref<16x4096xf32, #tpu.memory_space<vmem>>, vector<16xf32>,
      tpu.vector_store %arg9[%swap3A_152, %swap3A_153], %broadcast_in_dim3A_6 {strides = array<i32>} : memref<16x4096xf32, #tpu.memory_space<vmem>>, vector<16xf32>,
      %scan3A_155 = arith.constant 2 : i32
      %scan3A_156 = arith.addi %scan3A_141, %scan3A_155 : i32
      %mul3A_157 = arith.constant 16 : i32
      %mul3A_158 = arith.muli %scan3A_156, %mul3A_157 : i32
      %swap3A_159 = arith.constant 9 : i32
      %swap3A_160 = arith.index_cast %swap3A_159 : i32 to index
      %swap3A_161 = arith.index_cast %mul3A_158 : i32 to index
      %swap3A_162 = tpu.vector_load %arg9[%swap3A_160, %swap3A_161] {strides = array<i32>} : memref<16x4096xf32, #tpu.memory_space<vmem>>, vector<16xf32>,
      tpu.vector_store %arg9[%swap3A_160, %swap3A_161], %broadcast_in_dim3A_6 {strides = array<i32>} : memref<16x4096xf32, #tpu.memory_space<vmem>>, vector<16xf32>,
      %scan3A_163 = arith.constant 3 : i32
      %scan3A_164 = arith.addi %scan3A_141, %scan3A_163 : i32
      %mul3A_165 = arith.constant 16 : i32
      %mul3A_166 = arith.muli %scan3A_164, %mul3A_165 : i32
      %swap3A_167 = arith.constant 9 : i32
      %swap3A_168 = arith.index_cast %swap3A_167 : i32 to index
      %swap3A_169 = arith.index_cast %mul3A_166 : i32 to index
      %swap3A_170 = tpu.vector_load %arg9[%swap3A_168, %swap3A_169] {strides = array<i32>} : memref<16x4096xf32, #tpu.memory_space<vmem>>, vector<16xf32>,
      tpu.vector_store %arg9[%swap3A_168, %swap3A_169], %broadcast_in_dim3A_6 {strides = array<i32>} : memref<16x4096xf32, #tpu.memory_space<vmem>>, vector<16xf32>,
      %scan3A_171 = arith.constant 4 : i32
      %scan3A_172 = arith.addi %scan3A_141, %scan3A_171 : i32
      %mul3A_173 = arith.constant 16 : i32
      %mul3A_174 = arith.muli %scan3A_172, %mul3A_173 : i32
      %swap3A_175 = arith.constant 9 : i32
      %swap3A_176 = arith.index_cast %swap3A_175 : i32 to index
      %swap3A_177 = arith.index_cast %mul3A_174 : i32 to index
      %swap3A_178 = tpu.vector_load %arg9[%swap3A_176, %swap3A_177] {strides = array<i32>} : memref<16x4096xf32, #tpu.memory_space<vmem>>, vector<16xf32>,
      tpu.vector_store %arg9[%swap3A_176, %swap3A_177], %broadcast_in_dim3A_6 {strides = array<i32>} : memref<16x4096xf32, #tpu.memory_space<vmem>>, vector<16xf32>,
      %scan3A_179 = arith.constant 5 : i32
      %scan3A_180 = arith.addi %scan3A_141, %scan3A_179 : i32
      %mul3A_181 = arith.constant 16 : i32
      %mul3A_182 = arith.muli %scan3A_180, %mul3A_181 : i32
      %swap3A_183 = arith.constant 9 : i32
      %swap3A_184 = arith.index_cast %swap3A_183 : i32 to index
      %swap3A_185 = arith.index_cast %mul3A_182 : i32 to index
      %swap3A_186 = tpu.vector_load %arg9[%swap3A_184, %swap3A_185] {strides = array<i32>} : memref<16x4096xf32, #tpu.memory_space<vmem>>, vector<16xf32>,
      tpu.vector_store %arg9[%swap3A_184, %swap3A_185], %broadcast_in_dim3A_6 {strides = array<i32>} : memref<16x4096xf32, #tpu.memory_space<vmem>>, vector<16xf32>,
      %scan3A_187 = arith.constant 6 : i32
      %scan3A_188 = arith.addi %scan3A_141, %scan3A_187 : i32
      %mul3A_189 = arith.constant 16 : i32
      %mul3A_190 = arith.muli %scan3A_188, %mul3A_189 : i32
      %swap3A_191 = arith.constant 9 : i32
      %swap3A_192 = arith.index_cast %swap3A_191 : i32 to index
      %swap3A_193 = arith.index_cast %mul3A_190 : i32 to index
      %swap3A_194 = tpu.vector_load %arg9[%swap3A_192, %swap3A_193] {strides = array<i32>} : memref<16x4096xf32, #tpu.memory_space<vmem>>, vector<16xf32>,
      tpu.vector_store %arg9[%swap3A_192, %swap3A_193], %broadcast_in_dim3A_6 {strides = array<i32>} : memref<16x4096xf32, #tpu.memory_space<vmem>>, vector<16xf32>,
      %scan3A_195 = arith.constant 7 : i32
      %scan3A_196 = arith.addi %scan3A_141, %scan3A_195 : i32
      %mul3A_197 = arith.constant 16 : i32
      %mul3A_198 = arith.muli %scan3A_196, %mul3A_197 : i32
      %swap3A_199 = arith.constant 9 : i32
      %swap3A_200 = arith.index_cast %swap3A_199 : i32 to index
      %swap3A_201 = arith.index_cast %mul3A_198 : i32 to index
      %swap3A_202 = tpu.vector_load %arg9[%swap3A_200, %swap3A_201] {strides = array<i32>} : memref<16x4096xf32, #tpu.memory_space<vmem>>, vector<16xf32>,
      tpu.vector_store %arg9[%swap3A_200, %swap3A_201], %broadcast_in_dim3A_6 {strides = array<i32>} : memref<16x4096xf32, #tpu.memory_space<vmem>>, vector<16xf32>,
    }
    %scan3A_65 = arith.constant 256 : i32
    %scan3A_66 = arith.constant 0 : i32
    %scan3A_67 = arith.constant 0 : i32
    %scan3A_68 = arith.constant 256 : i32
    %scan3A_69 = arith.addi %scan3A_67, %scan3A_68 : i32
    %scan3A_70 = arith.constant 8 : i32
    scf.for %scan3A_141 = %scan3A_67 to %scan3A_69 step %scan3A_70  : i32 {
      %mul3A_142 = arith.constant 16 : i32
      %mul3A_143 = arith.muli %scan3A_141, %mul3A_142 : i32
      %swap3A = arith.constant 10 : i32
      %swap3A_144 = arith.index_cast %swap3A : i32 to index
      %swap3A_145 = arith.index_cast %mul3A_143 : i32 to index
      %swap3A_146 = tpu.vector_load %arg9[%swap3A_144, %swap3A_145] {strides = array<i32>} : memref<16x4096xf32, #tpu.memory_space<vmem>>, vector<16xf32>,
      tpu.vector_store %arg9[%swap3A_144, %swap3A_145], %broadcast_in_dim3A_6 {strides = array<i32>} : memref<16x4096xf32, #tpu.memory_space<vmem>>, vector<16xf32>,
      %scan3A_147 = arith.constant 1 : i32
      %scan3A_148 = arith.addi %scan3A_141, %scan3A_147 : i32
      %mul3A_149 = arith.constant 16 : i32
      %mul3A_150 = arith.muli %scan3A_148, %mul3A_149 : i32
      %swap3A_151 = arith.constant 10 : i32
      %swap3A_152 = arith.index_cast %swap3A_151 : i32 to index
      %swap3A_153 = arith.index_cast %mul3A_150 : i32 to index
      %swap3A_154 = tpu.vector_load %arg9[%swap3A_152, %swap3A_153] {strides = array<i32>} : memref<16x4096xf32, #tpu.memory_space<vmem>>, vector<16xf32>,
      tpu.vector_store %arg9[%swap3A_152, %swap3A_153], %broadcast_in_dim3A_6 {strides = array<i32>} : memref<16x4096xf32, #tpu.memory_space<vmem>>, vector<16xf32>,
      %scan3A_155 = arith.constant 2 : i32
      %scan3A_156 = arith.addi %scan3A_141, %scan3A_155 : i32
      %mul3A_157 = arith.constant 16 : i32
      %mul3A_158 = arith.muli %scan3A_156, %mul3A_157 : i32
      %swap3A_159 = arith.constant 10 : i32
      %swap3A_160 = arith.index_cast %swap3A_159 : i32 to index
      %swap3A_161 = arith.index_cast %mul3A_158 : i32 to index
      %swap3A_162 = tpu.vector_load %arg9[%swap3A_160, %swap3A_161] {strides = array<i32>} : memref<16x4096xf32, #tpu.memory_space<vmem>>, vector<16xf32>,
      tpu.vector_store %arg9[%swap3A_160, %swap3A_161], %broadcast_in_dim3A_6 {strides = array<i32>} : memref<16x4096xf32, #tpu.memory_space<vmem>>, vector<16xf32>,
      %scan3A_163 = arith.constant 3 : i32
      %scan3A_164 = arith.addi %scan3A_141, %scan3A_163 : i32
      %mul3A_165 = arith.constant 16 : i32
      %mul3A_166 = arith.muli %scan3A_164, %mul3A_165 : i32
      %swap3A_167 = arith.constant 10 : i32
      %swap3A_168 = arith.index_cast %swap3A_167 : i32 to index
      %swap3A_169 = arith.index_cast %mul3A_166 : i32 to index
      %swap3A_170 = tpu.vector_load %arg9[%swap3A_168, %swap3A_169] {strides = array<i32>} : memref<16x4096xf32, #tpu.memory_space<vmem>>, vector<16xf32>,
      tpu.vector_store %arg9[%swap3A_168, %swap3A_169], %broadcast_in_dim3A_6 {strides = array<i32>} : memref<16x4096xf32, #tpu.memory_space<vmem>>, vector<16xf32>,
      %scan3A_171 = arith.constant 4 : i32
      %scan3A_172 = arith.addi %scan3A_141, %scan3A_171 : i32
      %mul3A_173 = arith.constant 16 : i32
      %mul3A_174 = arith.muli %scan3A_172, %mul3A_173 : i32
      %swap3A_175 = arith.constant 10 : i32
      %swap3A_176 = arith.index_cast %swap3A_175 : i32 to index
      %swap3A_177 = arith.index_cast %mul3A_174 : i32 to index
      %swap3A_178 = tpu.vector_load %arg9[%swap3A_176, %swap3A_177] {strides = array<i32>} : memref<16x4096xf32, #tpu.memory_space<vmem>>, vector<16xf32>,
      tpu.vector_store %arg9[%swap3A_176, %swap3A_177], %broadcast_in_dim3A_6 {strides = array<i32>} : memref<16x4096xf32, #tpu.memory_space<vmem>>, vector<16xf32>,
      %scan3A_179 = arith.constant 5 : i32
      %scan3A_180 = arith.addi %scan3A_141, %scan3A_179 : i32
      %mul3A_181 = arith.constant 16 : i32
      %mul3A_182 = arith.muli %scan3A_180, %mul3A_181 : i32
      %swap3A_183 = arith.constant 10 : i32
      %swap3A_184 = arith.index_cast %swap3A_183 : i32 to index
      %swap3A_185 = arith.index_cast %mul3A_182 : i32 to index
      %swap3A_186 = tpu.vector_load %arg9[%swap3A_184, %swap3A_185] {strides = array<i32>} : memref<16x4096xf32, #tpu.memory_space<vmem>>, vector<16xf32>,
      tpu.vector_store %arg9[%swap3A_184, %swap3A_185], %broadcast_in_dim3A_6 {strides = array<i32>} : memref<16x4096xf32, #tpu.memory_space<vmem>>, vector<16xf32>,
      %scan3A_187 = arith.constant 6 : i32
      %scan3A_188 = arith.addi %scan3A_141, %scan3A_187 : i32
      %mul3A_189 = arith.constant 16 : i32
      %mul3A_190 = arith.muli %scan3A_188, %mul3A_189 : i32
      %swap3A_191 = arith.constant 10 : i32
      %swap3A_192 = arith.index_cast %swap3A_191 : i32 to index
      %swap3A_193 = arith.index_cast %mul3A_190 : i32 to index
      %swap3A_194 = tpu.vector_load %arg9[%swap3A_192, %swap3A_193] {strides = array<i32>} : memref<16x4096xf32, #tpu.memory_space<vmem>>, vector<16xf32>,
      tpu.vector_store %arg9[%swap3A_192, %swap3A_193], %broadcast_in_dim3A_6 {strides = array<i32>} : memref<16x4096xf32, #tpu.memory_space<vmem>>, vector<16xf32>,
      %scan3A_195 = arith.constant 7 : i32
      %scan3A_196 = arith.addi %scan3A_141, %scan3A_195 : i32
      %mul3A_197 = arith.constant 16 : i32
      %mul3A_198 = arith.muli %scan3A_196, %mul3A_197 : i32
      %swap3A_199 = arith.constant 10 : i32
      %swap3A_200 = arith.index_cast %swap3A_199 : i32 to index
      %swap3A_201 = arith.index_cast %mul3A_198 : i32 to index
      %swap3A_202 = tpu.vector_load %arg9[%swap3A_200, %swap3A_201] {strides = array<i32>} : memref<16x4096xf32, #tpu.memory_space<vmem>>, vector<16xf32>,
      tpu.vector_store %arg9[%swap3A_200, %swap3A_201], %broadcast_in_dim3A_6 {strides = array<i32>} : memref<16x4096xf32, #tpu.memory_space<vmem>>, vector<16xf32>,
    }
    %scan3A_71 = arith.constant 256 : i32
    %scan3A_72 = arith.constant 0 : i32
    %scan3A_73 = arith.constant 0 : i32
    %scan3A_74 = arith.constant 256 : i32
    %scan3A_75 = arith.addi %scan3A_73, %scan3A_74 : i32
    %scan3A_76 = arith.constant 8 : i32
    scf.for %scan3A_141 = %scan3A_73 to %scan3A_75 step %scan3A_76  : i32 {
      %mul3A_142 = arith.constant 16 : i32
      %mul3A_143 = arith.muli %scan3A_141, %mul3A_142 : i32
      %swap3A = arith.constant 11 : i32
      %swap3A_144 = arith.index_cast %swap3A : i32 to index
      %swap3A_145 = arith.index_cast %mul3A_143 : i32 to index
      %swap3A_146 = tpu.vector_load %arg9[%swap3A_144, %swap3A_145] {strides = array<i32>} : memref<16x4096xf32, #tpu.memory_space<vmem>>, vector<16xf32>,
      tpu.vector_store %arg9[%swap3A_144, %swap3A_145], %broadcast_in_dim3A_6 {strides = array<i32>} : memref<16x4096xf32, #tpu.memory_space<vmem>>, vector<16xf32>,
      %scan3A_147 = arith.constant 1 : i32
      %scan3A_148 = arith.addi %scan3A_141, %scan3A_147 : i32
      %mul3A_149 = arith.constant 16 : i32
      %mul3A_150 = arith.muli %scan3A_148, %mul3A_149 : i32
      %swap3A_151 = arith.constant 11 : i32
      %swap3A_152 = arith.index_cast %swap3A_151 : i32 to index
      %swap3A_153 = arith.index_cast %mul3A_150 : i32 to index
      %swap3A_154 = tpu.vector_load %arg9[%swap3A_152, %swap3A_153] {strides = array<i32>} : memref<16x4096xf32, #tpu.memory_space<vmem>>, vector<16xf32>,
      tpu.vector_store %arg9[%swap3A_152, %swap3A_153], %broadcast_in_dim3A_6 {strides = array<i32>} : memref<16x4096xf32, #tpu.memory_space<vmem>>, vector<16xf32>,
      %scan3A_155 = arith.constant 2 : i32
      %scan3A_156 = arith.addi %scan3A_141, %scan3A_155 : i32
      %mul3A_157 = arith.constant 16 : i32
      %mul3A_158 = arith.muli %scan3A_156, %mul3A_157 : i32
      %swap3A_159 = arith.constant 11 : i32
      %swap3A_160 = arith.index_cast %swap3A_159 : i32 to index
      %swap3A_161 = arith.index_cast %mul3A_158 : i32 to index
      %swap3A_162 = tpu.vector_load %arg9[%swap3A_160, %swap3A_161] {strides = array<i32>} : memref<16x4096xf32, #tpu.memory_space<vmem>>, vector<16xf32>,
      tpu.vector_store %arg9[%swap3A_160, %swap3A_161], %broadcast_in_dim3A_6 {strides = array<i32>} : memref<16x4096xf32, #tpu.memory_space<vmem>>, vector<16xf32>,
      %scan3A_163 = arith.constant 3 : i32
      %scan3A_164 = arith.addi %scan3A_141, %scan3A_163 : i32
      %mul3A_165 = arith.constant 16 : i32
      %mul3A_166 = arith.muli %scan3A_164, %mul3A_165 : i32
      %swap3A_167 = arith.constant 11 : i32
      %swap3A_168 = arith.index_cast %swap3A_167 : i32 to index
      %swap3A_169 = arith.index_cast %mul3A_166 : i32 to index
      %swap3A_170 = tpu.vector_load %arg9[%swap3A_168, %swap3A_169] {strides = array<i32>} : memref<16x4096xf32, #tpu.memory_space<vmem>>, vector<16xf32>,
      tpu.vector_store %arg9[%swap3A_168, %swap3A_169], %broadcast_in_dim3A_6 {strides = array<i32>} : memref<16x4096xf32, #tpu.memory_space<vmem>>, vector<16xf32>,
      %scan3A_171 = arith.constant 4 : i32
      %scan3A_172 = arith.addi %scan3A_141, %scan3A_171 : i32
      %mul3A_173 = arith.constant 16 : i32
      %mul3A_174 = arith.muli %scan3A_172, %mul3A_173 : i32
      %swap3A_175 = arith.constant 11 : i32
      %swap3A_176 = arith.index_cast %swap3A_175 : i32 to index
      %swap3A_177 = arith.index_cast %mul3A_174 : i32 to index
      %swap3A_178 = tpu.vector_load %arg9[%swap3A_176, %swap3A_177] {strides = array<i32>} : memref<16x4096xf32, #tpu.memory_space<vmem>>, vector<16xf32>,
      tpu.vector_store %arg9[%swap3A_176, %swap3A_177], %broadcast_in_dim3A_6 {strides = array<i32>} : memref<16x4096xf32, #tpu.memory_space<vmem>>, vector<16xf32>,
      %scan3A_179 = arith.constant 5 : i32
      %scan3A_180 = arith.addi %scan3A_141, %scan3A_179 : i32
      %mul3A_181 = arith.constant 16 : i32
      %mul3A_182 = arith.muli %scan3A_180, %mul3A_181 : i32
      %swap3A_183 = arith.constant 11 : i32
      %swap3A_184 = arith.index_cast %swap3A_183 : i32 to index
      %swap3A_185 = arith.index_cast %mul3A_182 : i32 to index
      %swap3A_186 = tpu.vector_load %arg9[%swap3A_184, %swap3A_185] {strides = array<i32>} : memref<16x4096xf32, #tpu.memory_space<vmem>>, vector<16xf32>,
      tpu.vector_store %arg9[%swap3A_184, %swap3A_185], %broadcast_in_dim3A_6 {strides = array<i32>} : memref<16x4096xf32, #tpu.memory_space<vmem>>, vector<16xf32>,
      %scan3A_187 = arith.constant 6 : i32
      %scan3A_188 = arith.addi %scan3A_141, %scan3A_187 : i32
      %mul3A_189 = arith.constant 16 : i32
      %mul3A_190 = arith.muli %scan3A_188, %mul3A_189 : i32
      %swap3A_191 = arith.constant 11 : i32
      %swap3A_192 = arith.index_cast %swap3A_191 : i32 to index
      %swap3A_193 = arith.index_cast %mul3A_190 : i32 to index
      %swap3A_194 = tpu.vector_load %arg9[%swap3A_192, %swap3A_193] {strides = array<i32>} : memref<16x4096xf32, #tpu.memory_space<vmem>>, vector<16xf32>,
      tpu.vector_store %arg9[%swap3A_192, %swap3A_193], %broadcast_in_dim3A_6 {strides = array<i32>} : memref<16x4096xf32, #tpu.memory_space<vmem>>, vector<16xf32>,
      %scan3A_195 = arith.constant 7 : i32
      %scan3A_196 = arith.addi %scan3A_141, %scan3A_195 : i32
      %mul3A_197 = arith.constant 16 : i32
      %mul3A_198 = arith.muli %scan3A_196, %mul3A_197 : i32
      %swap3A_199 = arith.constant 11 : i32
      %swap3A_200 = arith.index_cast %swap3A_199 : i32 to index
      %swap3A_201 = arith.index_cast %mul3A_198 : i32 to index
      %swap3A_202 = tpu.vector_load %arg9[%swap3A_200, %swap3A_201] {strides = array<i32>} : memref<16x4096xf32, #tpu.memory_space<vmem>>, vector<16xf32>,
      tpu.vector_store %arg9[%swap3A_200, %swap3A_201], %broadcast_in_dim3A_6 {strides = array<i32>} : memref<16x4096xf32, #tpu.memory_space<vmem>>, vector<16xf32>,
    }
    %scan3A_77 = arith.constant 256 : i32
    %scan3A_78 = arith.constant 0 : i32
    %scan3A_79 = arith.constant 0 : i32
    %scan3A_80 = arith.constant 256 : i32
    %scan3A_81 = arith.addi %scan3A_79, %scan3A_80 : i32
    %scan3A_82 = arith.constant 8 : i32
    scf.for %scan3A_141 = %scan3A_79 to %scan3A_81 step %scan3A_82  : i32 {
      %mul3A_142 = arith.constant 16 : i32
      %mul3A_143 = arith.muli %scan3A_141, %mul3A_142 : i32
      %swap3A = arith.constant 12 : i32
      %swap3A_144 = arith.index_cast %swap3A : i32 to index
      %swap3A_145 = arith.index_cast %mul3A_143 : i32 to index
      %swap3A_146 = tpu.vector_load %arg9[%swap3A_144, %swap3A_145] {strides = array<i32>} : memref<16x4096xf32, #tpu.memory_space<vmem>>, vector<16xf32>,
      tpu.vector_store %arg9[%swap3A_144, %swap3A_145], %broadcast_in_dim3A_6 {strides = array<i32>} : memref<16x4096xf32, #tpu.memory_space<vmem>>, vector<16xf32>,
      %scan3A_147 = arith.constant 1 : i32
      %scan3A_148 = arith.addi %scan3A_141, %scan3A_147 : i32
      %mul3A_149 = arith.constant 16 : i32
      %mul3A_150 = arith.muli %scan3A_148, %mul3A_149 : i32
      %swap3A_151 = arith.constant 12 : i32
      %swap3A_152 = arith.index_cast %swap3A_151 : i32 to index
      %swap3A_153 = arith.index_cast %mul3A_150 : i32 to index
      %swap3A_154 = tpu.vector_load %arg9[%swap3A_152, %swap3A_153] {strides = array<i32>} : memref<16x4096xf32, #tpu.memory_space<vmem>>, vector<16xf32>,
      tpu.vector_store %arg9[%swap3A_152, %swap3A_153], %broadcast_in_dim3A_6 {strides = array<i32>} : memref<16x4096xf32, #tpu.memory_space<vmem>>, vector<16xf32>,
      %scan3A_155 = arith.constant 2 : i32
      %scan3A_156 = arith.addi %scan3A_141, %scan3A_155 : i32
      %mul3A_157 = arith.constant 16 : i32
      %mul3A_158 = arith.muli %scan3A_156, %mul3A_157 : i32
      %swap3A_159 = arith.constant 12 : i32
      %swap3A_160 = arith.index_cast %swap3A_159 : i32 to index
      %swap3A_161 = arith.index_cast %mul3A_158 : i32 to index
      %swap3A_162 = tpu.vector_load %arg9[%swap3A_160, %swap3A_161] {strides = array<i32>} : memref<16x4096xf32, #tpu.memory_space<vmem>>, vector<16xf32>,
      tpu.vector_store %arg9[%swap3A_160, %swap3A_161], %broadcast_in_dim3A_6 {strides = array<i32>} : memref<16x4096xf32, #tpu.memory_space<vmem>>, vector<16xf32>,
      %scan3A_163 = arith.constant 3 : i32
      %scan3A_164 = arith.addi %scan3A_141, %scan3A_163 : i32
      %mul3A_165 = arith.constant 16 : i32
      %mul3A_166 = arith.muli %scan3A_164, %mul3A_165 : i32
      %swap3A_167 = arith.constant 12 : i32
      %swap3A_168 = arith.index_cast %swap3A_167 : i32 to index
      %swap3A_169 = arith.index_cast %mul3A_166 : i32 to index
      %swap3A_170 = tpu.vector_load %arg9[%swap3A_168, %swap3A_169] {strides = array<i32>} : memref<16x4096xf32, #tpu.memory_space<vmem>>, vector<16xf32>,
      tpu.vector_store %arg9[%swap3A_168, %swap3A_169], %broadcast_in_dim3A_6 {strides = array<i32>} : memref<16x4096xf32, #tpu.memory_space<vmem>>, vector<16xf32>,
      %scan3A_171 = arith.constant 4 : i32
      %scan3A_172 = arith.addi %scan3A_141, %scan3A_171 : i32
      %mul3A_173 = arith.constant 16 : i32
      %mul3A_174 = arith.muli %scan3A_172, %mul3A_173 : i32
      %swap3A_175 = arith.constant 12 : i32
      %swap3A_176 = arith.index_cast %swap3A_175 : i32 to index
      %swap3A_177 = arith.index_cast %mul3A_174 : i32 to index
      %swap3A_178 = tpu.vector_load %arg9[%swap3A_176, %swap3A_177] {strides = array<i32>} : memref<16x4096xf32, #tpu.memory_space<vmem>>, vector<16xf32>,
      tpu.vector_store %arg9[%swap3A_176, %swap3A_177], %broadcast_in_dim3A_6 {strides = array<i32>} : memref<16x4096xf32, #tpu.memory_space<vmem>>, vector<16xf32>,
      %scan3A_179 = arith.constant 5 : i32
      %scan3A_180 = arith.addi %scan3A_141, %scan3A_179 : i32
      %mul3A_181 = arith.constant 16 : i32
      %mul3A_182 = arith.muli %scan3A_180, %mul3A_181 : i32
      %swap3A_183 = arith.constant 12 : i32
      %swap3A_184 = arith.index_cast %swap3A_183 : i32 to index
      %swap3A_185 = arith.index_cast %mul3A_182 : i32 to index
      %swap3A_186 = tpu.vector_load %arg9[%swap3A_184, %swap3A_185] {strides = array<i32>} : memref<16x4096xf32, #tpu.memory_space<vmem>>, vector<16xf32>,
      tpu.vector_store %arg9[%swap3A_184, %swap3A_185], %broadcast_in_dim3A_6 {strides = array<i32>} : memref<16x4096xf32, #tpu.memory_space<vmem>>, vector<16xf32>,
      %scan3A_187 = arith.constant 6 : i32
      %scan3A_188 = arith.addi %scan3A_141, %scan3A_187 : i32
      %mul3A_189 = arith.constant 16 : i32
      %mul3A_190 = arith.muli %scan3A_188, %mul3A_189 : i32
      %swap3A_191 = arith.constant 12 : i32
      %swap3A_192 = arith.index_cast %swap3A_191 : i32 to index
      %swap3A_193 = arith.index_cast %mul3A_190 : i32 to index
      %swap3A_194 = tpu.vector_load %arg9[%swap3A_192, %swap3A_193] {strides = array<i32>} : memref<16x4096xf32, #tpu.memory_space<vmem>>, vector<16xf32>,
      tpu.vector_store %arg9[%swap3A_192, %swap3A_193], %broadcast_in_dim3A_6 {strides = array<i32>} : memref<16x4096xf32, #tpu.memory_space<vmem>>, vector<16xf32>,
      %scan3A_195 = arith.constant 7 : i32
      %scan3A_196 = arith.addi %scan3A_141, %scan3A_195 : i32
      %mul3A_197 = arith.constant 16 : i32
      %mul3A_198 = arith.muli %scan3A_196, %mul3A_197 : i32
      %swap3A_199 = arith.constant 12 : i32
      %swap3A_200 = arith.index_cast %swap3A_199 : i32 to index
      %swap3A_201 = arith.index_cast %mul3A_198 : i32 to index
      %swap3A_202 = tpu.vector_load %arg9[%swap3A_200, %swap3A_201] {strides = array<i32>} : memref<16x4096xf32, #tpu.memory_space<vmem>>, vector<16xf32>,
      tpu.vector_store %arg9[%swap3A_200, %swap3A_201], %broadcast_in_dim3A_6 {strides = array<i32>} : memref<16x4096xf32, #tpu.memory_space<vmem>>, vector<16xf32>,
    }
    %scan3A_83 = arith.constant 256 : i32
    %scan3A_84 = arith.constant 0 : i32
    %scan3A_85 = arith.constant 0 : i32
    %scan3A_86 = arith.constant 256 : i32
    %scan3A_87 = arith.addi %scan3A_85, %scan3A_86 : i32
    %scan3A_88 = arith.constant 8 : i32
    scf.for %scan3A_141 = %scan3A_85 to %scan3A_87 step %scan3A_88  : i32 {
      %mul3A_142 = arith.constant 16 : i32
      %mul3A_143 = arith.muli %scan3A_141, %mul3A_142 : i32
      %swap3A = arith.constant 13 : i32
      %swap3A_144 = arith.index_cast %swap3A : i32 to index
      %swap3A_145 = arith.index_cast %mul3A_143 : i32 to index
      %swap3A_146 = tpu.vector_load %arg9[%swap3A_144, %swap3A_145] {strides = array<i32>} : memref<16x4096xf32, #tpu.memory_space<vmem>>, vector<16xf32>,
      tpu.vector_store %arg9[%swap3A_144, %swap3A_145], %broadcast_in_dim3A_6 {strides = array<i32>} : memref<16x4096xf32, #tpu.memory_space<vmem>>, vector<16xf32>,
      %scan3A_147 = arith.constant 1 : i32
      %scan3A_148 = arith.addi %scan3A_141, %scan3A_147 : i32
      %mul3A_149 = arith.constant 16 : i32
      %mul3A_150 = arith.muli %scan3A_148, %mul3A_149 : i32
      %swap3A_151 = arith.constant 13 : i32
      %swap3A_152 = arith.index_cast %swap3A_151 : i32 to index
      %swap3A_153 = arith.index_cast %mul3A_150 : i32 to index
      %swap3A_154 = tpu.vector_load %arg9[%swap3A_152, %swap3A_153] {strides = array<i32>} : memref<16x4096xf32, #tpu.memory_space<vmem>>, vector<16xf32>,
      tpu.vector_store %arg9[%swap3A_152, %swap3A_153], %broadcast_in_dim3A_6 {strides = array<i32>} : memref<16x4096xf32, #tpu.memory_space<vmem>>, vector<16xf32>,
      %scan3A_155 = arith.constant 2 : i32
      %scan3A_156 = arith.addi %scan3A_141, %scan3A_155 : i32
      %mul3A_157 = arith.constant 16 : i32
      %mul3A_158 = arith.muli %scan3A_156, %mul3A_157 : i32
      %swap3A_159 = arith.constant 13 : i32
      %swap3A_160 = arith.index_cast %swap3A_159 : i32 to index
      %swap3A_161 = arith.index_cast %mul3A_158 : i32 to index
      %swap3A_162 = tpu.vector_load %arg9[%swap3A_160, %swap3A_161] {strides = array<i32>} : memref<16x4096xf32, #tpu.memory_space<vmem>>, vector<16xf32>,
      tpu.vector_store %arg9[%swap3A_160, %swap3A_161], %broadcast_in_dim3A_6 {strides = array<i32>} : memref<16x4096xf32, #tpu.memory_space<vmem>>, vector<16xf32>,
      %scan3A_163 = arith.constant 3 : i32
      %scan3A_164 = arith.addi %scan3A_141, %scan3A_163 : i32
      %mul3A_165 = arith.constant 16 : i32
      %mul3A_166 = arith.muli %scan3A_164, %mul3A_165 : i32
      %swap3A_167 = arith.constant 13 : i32
      %swap3A_168 = arith.index_cast %swap3A_167 : i32 to index
      %swap3A_169 = arith.index_cast %mul3A_166 : i32 to index
      %swap3A_170 = tpu.vector_load %arg9[%swap3A_168, %swap3A_169] {strides = array<i32>} : memref<16x4096xf32, #tpu.memory_space<vmem>>, vector<16xf32>,
      tpu.vector_store %arg9[%swap3A_168, %swap3A_169], %broadcast_in_dim3A_6 {strides = array<i32>} : memref<16x4096xf32, #tpu.memory_space<vmem>>, vector<16xf32>,
      %scan3A_171 = arith.constant 4 : i32
      %scan3A_172 = arith.addi %scan3A_141, %scan3A_171 : i32
      %mul3A_173 = arith.constant 16 : i32
      %mul3A_174 = arith.muli %scan3A_172, %mul3A_173 : i32
      %swap3A_175 = arith.constant 13 : i32
      %swap3A_176 = arith.index_cast %swap3A_175 : i32 to index
      %swap3A_177 = arith.index_cast %mul3A_174 : i32 to index
      %swap3A_178 = tpu.vector_load %arg9[%swap3A_176, %swap3A_177] {strides = array<i32>} : memref<16x4096xf32, #tpu.memory_space<vmem>>, vector<16xf32>,
      tpu.vector_store %arg9[%swap3A_176, %swap3A_177], %broadcast_in_dim3A_6 {strides = array<i32>} : memref<16x4096xf32, #tpu.memory_space<vmem>>, vector<16xf32>,
      %scan3A_179 = arith.constant 5 : i32
      %scan3A_180 = arith.addi %scan3A_141, %scan3A_179 : i32
      %mul3A_181 = arith.constant 16 : i32
      %mul3A_182 = arith.muli %scan3A_180, %mul3A_181 : i32
      %swap3A_183 = arith.constant 13 : i32
      %swap3A_184 = arith.index_cast %swap3A_183 : i32 to index
      %swap3A_185 = arith.index_cast %mul3A_182 : i32 to index
      %swap3A_186 = tpu.vector_load %arg9[%swap3A_184, %swap3A_185] {strides = array<i32>} : memref<16x4096xf32, #tpu.memory_space<vmem>>, vector<16xf32>,
      tpu.vector_store %arg9[%swap3A_184, %swap3A_185], %broadcast_in_dim3A_6 {strides = array<i32>} : memref<16x4096xf32, #tpu.memory_space<vmem>>, vector<16xf32>,
      %scan3A_187 = arith.constant 6 : i32
      %scan3A_188 = arith.addi %scan3A_141, %scan3A_187 : i32
      %mul3A_189 = arith.constant 16 : i32
      %mul3A_190 = arith.muli %scan3A_188, %mul3A_189 : i32
      %swap3A_191 = arith.constant 13 : i32
      %swap3A_192 = arith.index_cast %swap3A_191 : i32 to index
      %swap3A_193 = arith.index_cast %mul3A_190 : i32 to index
      %swap3A_194 = tpu.vector_load %arg9[%swap3A_192, %swap3A_193] {strides = array<i32>} : memref<16x4096xf32, #tpu.memory_space<vmem>>, vector<16xf32>,
      tpu.vector_store %arg9[%swap3A_192, %swap3A_193], %broadcast_in_dim3A_6 {strides = array<i32>} : memref<16x4096xf32, #tpu.memory_space<vmem>>, vector<16xf32>,
      %scan3A_195 = arith.constant 7 : i32
      %scan3A_196 = arith.addi %scan3A_141, %scan3A_195 : i32
      %mul3A_197 = arith.constant 16 : i32
      %mul3A_198 = arith.muli %scan3A_196, %mul3A_197 : i32
      %swap3A_199 = arith.constant 13 : i32
      %swap3A_200 = arith.index_cast %swap3A_199 : i32 to index
      %swap3A_201 = arith.index_cast %mul3A_198 : i32 to index
      %swap3A_202 = tpu.vector_load %arg9[%swap3A_200, %swap3A_201] {strides = array<i32>} : memref<16x4096xf32, #tpu.memory_space<vmem>>, vector<16xf32>,
      tpu.vector_store %arg9[%swap3A_200, %swap3A_201], %broadcast_in_dim3A_6 {strides = array<i32>} : memref<16x4096xf32, #tpu.memory_space<vmem>>, vector<16xf32>,
    }
    %scan3A_89 = arith.constant 256 : i32
    %scan3A_90 = arith.constant 0 : i32
    %scan3A_91 = arith.constant 0 : i32
    %scan3A_92 = arith.constant 256 : i32
    %scan3A_93 = arith.addi %scan3A_91, %scan3A_92 : i32
    %scan3A_94 = arith.constant 8 : i32
    scf.for %scan3A_141 = %scan3A_91 to %scan3A_93 step %scan3A_94  : i32 {
      %mul3A_142 = arith.constant 16 : i32
      %mul3A_143 = arith.muli %scan3A_141, %mul3A_142 : i32
      %swap3A = arith.constant 14 : i32
      %swap3A_144 = arith.index_cast %swap3A : i32 to index
      %swap3A_145 = arith.index_cast %mul3A_143 : i32 to index
      %swap3A_146 = tpu.vector_load %arg9[%swap3A_144, %swap3A_145] {strides = array<i32>} : memref<16x4096xf32, #tpu.memory_space<vmem>>, vector<16xf32>,
      tpu.vector_store %arg9[%swap3A_144, %swap3A_145], %broadcast_in_dim3A_6 {strides = array<i32>} : memref<16x4096xf32, #tpu.memory_space<vmem>>, vector<16xf32>,
      %scan3A_147 = arith.constant 1 : i32
      %scan3A_148 = arith.addi %scan3A_141, %scan3A_147 : i32
      %mul3A_149 = arith.constant 16 : i32
      %mul3A_150 = arith.muli %scan3A_148, %mul3A_149 : i32
      %swap3A_151 = arith.constant 14 : i32
      %swap3A_152 = arith.index_cast %swap3A_151 : i32 to index
      %swap3A_153 = arith.index_cast %mul3A_150 : i32 to index
      %swap3A_154 = tpu.vector_load %arg9[%swap3A_152, %swap3A_153] {strides = array<i32>} : memref<16x4096xf32, #tpu.memory_space<vmem>>, vector<16xf32>,
      tpu.vector_store %arg9[%swap3A_152, %swap3A_153], %broadcast_in_dim3A_6 {strides = array<i32>} : memref<16x4096xf32, #tpu.memory_space<vmem>>, vector<16xf32>,
      %scan3A_155 = arith.constant 2 : i32
      %scan3A_156 = arith.addi %scan3A_141, %scan3A_155 : i32
      %mul3A_157 = arith.constant 16 : i32
      %mul3A_158 = arith.muli %scan3A_156, %mul3A_157 : i32
      %swap3A_159 = arith.constant 14 : i32
      %swap3A_160 = arith.index_cast %swap3A_159 : i32 to index
      %swap3A_161 = arith.index_cast %mul3A_158 : i32 to index
      %swap3A_162 = tpu.vector_load %arg9[%swap3A_160, %swap3A_161] {strides = array<i32>} : memref<16x4096xf32, #tpu.memory_space<vmem>>, vector<16xf32>,
      tpu.vector_store %arg9[%swap3A_160, %swap3A_161], %broadcast_in_dim3A_6 {strides = array<i32>} : memref<16x4096xf32, #tpu.memory_space<vmem>>, vector<16xf32>,
      %scan3A_163 = arith.constant 3 : i32
      %scan3A_164 = arith.addi %scan3A_141, %scan3A_163 : i32
      %mul3A_165 = arith.constant 16 : i32
      %mul3A_166 = arith.muli %scan3A_164, %mul3A_165 : i32
      %swap3A_167 = arith.constant 14 : i32
      %swap3A_168 = arith.index_cast %swap3A_167 : i32 to index
      %swap3A_169 = arith.index_cast %mul3A_166 : i32 to index
      %swap3A_170 = tpu.vector_load %arg9[%swap3A_168, %swap3A_169] {strides = array<i32>} : memref<16x4096xf32, #tpu.memory_space<vmem>>, vector<16xf32>,
      tpu.vector_store %arg9[%swap3A_168, %swap3A_169], %broadcast_in_dim3A_6 {strides = array<i32>} : memref<16x4096xf32, #tpu.memory_space<vmem>>, vector<16xf32>,
      %scan3A_171 = arith.constant 4 : i32
      %scan3A_172 = arith.addi %scan3A_141, %scan3A_171 : i32
      %mul3A_173 = arith.constant 16 : i32
      %mul3A_174 = arith.muli %scan3A_172, %mul3A_173 : i32
      %swap3A_175 = arith.constant 14 : i32
      %swap3A_176 = arith.index_cast %swap3A_175 : i32 to index
      %swap3A_177 = arith.index_cast %mul3A_174 : i32 to index
      %swap3A_178 = tpu.vector_load %arg9[%swap3A_176, %swap3A_177] {strides = array<i32>} : memref<16x4096xf32, #tpu.memory_space<vmem>>, vector<16xf32>,
      tpu.vector_store %arg9[%swap3A_176, %swap3A_177], %broadcast_in_dim3A_6 {strides = array<i32>} : memref<16x4096xf32, #tpu.memory_space<vmem>>, vector<16xf32>,
      %scan3A_179 = arith.constant 5 : i32
      %scan3A_180 = arith.addi %scan3A_141, %scan3A_179 : i32
      %mul3A_181 = arith.constant 16 : i32
      %mul3A_182 = arith.muli %scan3A_180, %mul3A_181 : i32
      %swap3A_183 = arith.constant 14 : i32
      %swap3A_184 = arith.index_cast %swap3A_183 : i32 to index
      %swap3A_185 = arith.index_cast %mul3A_182 : i32 to index
      %swap3A_186 = tpu.vector_load %arg9[%swap3A_184, %swap3A_185] {strides = array<i32>} : memref<16x4096xf32, #tpu.memory_space<vmem>>, vector<16xf32>,
      tpu.vector_store %arg9[%swap3A_184, %swap3A_185], %broadcast_in_dim3A_6 {strides = array<i32>} : memref<16x4096xf32, #tpu.memory_space<vmem>>, vector<16xf32>,
      %scan3A_187 = arith.constant 6 : i32
      %scan3A_188 = arith.addi %scan3A_141, %scan3A_187 : i32
      %mul3A_189 = arith.constant 16 : i32
      %mul3A_190 = arith.muli %scan3A_188, %mul3A_189 : i32
      %swap3A_191 = arith.constant 14 : i32
      %swap3A_192 = arith.index_cast %swap3A_191 : i32 to index
      %swap3A_193 = arith.index_cast %mul3A_190 : i32 to index
      %swap3A_194 = tpu.vector_load %arg9[%swap3A_192, %swap3A_193] {strides = array<i32>} : memref<16x4096xf32, #tpu.memory_space<vmem>>, vector<16xf32>,
      tpu.vector_store %arg9[%swap3A_192, %swap3A_193], %broadcast_in_dim3A_6 {strides = array<i32>} : memref<16x4096xf32, #tpu.memory_space<vmem>>, vector<16xf32>,
      %scan3A_195 = arith.constant 7 : i32
      %scan3A_196 = arith.addi %scan3A_141, %scan3A_195 : i32
      %mul3A_197 = arith.constant 16 : i32
      %mul3A_198 = arith.muli %scan3A_196, %mul3A_197 : i32
      %swap3A_199 = arith.constant 14 : i32
      %swap3A_200 = arith.index_cast %swap3A_199 : i32 to index
      %swap3A_201 = arith.index_cast %mul3A_198 : i32 to index
      %swap3A_202 = tpu.vector_load %arg9[%swap3A_200, %swap3A_201] {strides = array<i32>} : memref<16x4096xf32, #tpu.memory_space<vmem>>, vector<16xf32>,
      tpu.vector_store %arg9[%swap3A_200, %swap3A_201], %broadcast_in_dim3A_6 {strides = array<i32>} : memref<16x4096xf32, #tpu.memory_space<vmem>>, vector<16xf32>,
    }
    %scan3A_95 = arith.constant 256 : i32
    %scan3A_96 = arith.constant 0 : i32
    %scan3A_97 = arith.constant 0 : i32
    %scan3A_98 = arith.constant 256 : i32
    %scan3A_99 = arith.addi %scan3A_97, %scan3A_98 : i32
    %scan3A_100 = arith.constant 8 : i32
    scf.for %scan3A_141 = %scan3A_97 to %scan3A_99 step %scan3A_100  : i32 {
      %mul3A_142 = arith.constant 16 : i32
      %mul3A_143 = arith.muli %scan3A_141, %mul3A_142 : i32
      %swap3A = arith.constant 15 : i32
      %swap3A_144 = arith.index_cast %swap3A : i32 to index
      %swap3A_145 = arith.index_cast %mul3A_143 : i32 to index
      %swap3A_146 = tpu.vector_load %arg9[%swap3A_144, %swap3A_145] {strides = array<i32>} : memref<16x4096xf32, #tpu.memory_space<vmem>>, vector<16xf32>,
      tpu.vector_store %arg9[%swap3A_144, %swap3A_145], %broadcast_in_dim3A_6 {strides = array<i32>} : memref<16x4096xf32, #tpu.memory_space<vmem>>, vector<16xf32>,
      %scan3A_147 = arith.constant 1 : i32
      %scan3A_148 = arith.addi %scan3A_141, %scan3A_147 : i32
      %mul3A_149 = arith.constant 16 : i32
      %mul3A_150 = arith.muli %scan3A_148, %mul3A_149 : i32
      %swap3A_151 = arith.constant 15 : i32
      %swap3A_152 = arith.index_cast %swap3A_151 : i32 to index
      %swap3A_153 = arith.index_cast %mul3A_150 : i32 to index
      %swap3A_154 = tpu.vector_load %arg9[%swap3A_152, %swap3A_153] {strides = array<i32>} : memref<16x4096xf32, #tpu.memory_space<vmem>>, vector<16xf32>,
      tpu.vector_store %arg9[%swap3A_152, %swap3A_153], %broadcast_in_dim3A_6 {strides = array<i32>} : memref<16x4096xf32, #tpu.memory_space<vmem>>, vector<16xf32>,
      %scan3A_155 = arith.constant 2 : i32
      %scan3A_156 = arith.addi %scan3A_141, %scan3A_155 : i32
      %mul3A_157 = arith.constant 16 : i32
      %mul3A_158 = arith.muli %scan3A_156, %mul3A_157 : i32
      %swap3A_159 = arith.constant 15 : i32
      %swap3A_160 = arith.index_cast %swap3A_159 : i32 to index
      %swap3A_161 = arith.index_cast %mul3A_158 : i32 to index
      %swap3A_162 = tpu.vector_load %arg9[%swap3A_160, %swap3A_161] {strides = array<i32>} : memref<16x4096xf32, #tpu.memory_space<vmem>>, vector<16xf32>,
      tpu.vector_store %arg9[%swap3A_160, %swap3A_161], %broadcast_in_dim3A_6 {strides = array<i32>} : memref<16x4096xf32, #tpu.memory_space<vmem>>, vector<16xf32>,
      %scan3A_163 = arith.constant 3 : i32
      %scan3A_164 = arith.addi %scan3A_141, %scan3A_163 : i32
      %mul3A_165 = arith.constant 16 : i32
      %mul3A_166 = arith.muli %scan3A_164, %mul3A_165 : i32
      %swap3A_167 = arith.constant 15 : i32
      %swap3A_168 = arith.index_cast %swap3A_167 : i32 to index
      %swap3A_169 = arith.index_cast %mul3A_166 : i32 to index
      %swap3A_170 = tpu.vector_load %arg9[%swap3A_168, %swap3A_169] {strides = array<i32>} : memref<16x4096xf32, #tpu.memory_space<vmem>>, vector<16xf32>,
      tpu.vector_store %arg9[%swap3A_168, %swap3A_169], %broadcast_in_dim3A_6 {strides = array<i32>} : memref<16x4096xf32, #tpu.memory_space<vmem>>, vector<16xf32>,
      %scan3A_171 = arith.constant 4 : i32
      %scan3A_172 = arith.addi %scan3A_141, %scan3A_171 : i32
      %mul3A_173 = arith.constant 16 : i32
      %mul3A_174 = arith.muli %scan3A_172, %mul3A_173 : i32
      %swap3A_175 = arith.constant 15 : i32
      %swap3A_176 = arith.index_cast %swap3A_175 : i32 to index
      %swap3A_177 = arith.index_cast %mul3A_174 : i32 to index
      %swap3A_178 = tpu.vector_load %arg9[%swap3A_176, %swap3A_177] {strides = array<i32>} : memref<16x4096xf32, #tpu.memory_space<vmem>>, vector<16xf32>,
      tpu.vector_store %arg9[%swap3A_176, %swap3A_177], %broadcast_in_dim3A_6 {strides = array<i32>} : memref<16x4096xf32, #tpu.memory_space<vmem>>, vector<16xf32>,
      %scan3A_179 = arith.constant 5 : i32
      %scan3A_180 = arith.addi %scan3A_141, %scan3A_179 : i32
      %mul3A_181 = arith.constant 16 : i32
      %mul3A_182 = arith.muli %scan3A_180, %mul3A_181 : i32
      %swap3A_183 = arith.constant 15 : i32
      %swap3A_184 = arith.index_cast %swap3A_183 : i32 to index
      %swap3A_185 = arith.index_cast %mul3A_182 : i32 to index
      %swap3A_186 = tpu.vector_load %arg9[%swap3A_184, %swap3A_185] {strides = array<i32>} : memref<16x4096xf32, #tpu.memory_space<vmem>>, vector<16xf32>,
      tpu.vector_store %arg9[%swap3A_184, %swap3A_185], %broadcast_in_dim3A_6 {strides = array<i32>} : memref<16x4096xf32, #tpu.memory_space<vmem>>, vector<16xf32>,
      %scan3A_187 = arith.constant 6 : i32
      %scan3A_188 = arith.addi %scan3A_141, %scan3A_187 : i32
      %mul3A_189 = arith.constant 16 : i32
      %mul3A_190 = arith.muli %scan3A_188, %mul3A_189 : i32
      %swap3A_191 = arith.constant 15 : i32
      %swap3A_192 = arith.index_cast %swap3A_191 : i32 to index
      %swap3A_193 = arith.index_cast %mul3A_190 : i32 to index
      %swap3A_194 = tpu.vector_load %arg9[%swap3A_192, %swap3A_193] {strides = array<i32>} : memref<16x4096xf32, #tpu.memory_space<vmem>>, vector<16xf32>,
      tpu.vector_store %arg9[%swap3A_192, %swap3A_193], %broadcast_in_dim3A_6 {strides = array<i32>} : memref<16x4096xf32, #tpu.memory_space<vmem>>, vector<16xf32>,
      %scan3A_195 = arith.constant 7 : i32
      %scan3A_196 = arith.addi %scan3A_141, %scan3A_195 : i32
      %mul3A_197 = arith.constant 16 : i32
      %mul3A_198 = arith.muli %scan3A_196, %mul3A_197 : i32
      %swap3A_199 = arith.constant 15 : i32
      %swap3A_200 = arith.index_cast %swap3A_199 : i32 to index
      %swap3A_201 = arith.index_cast %mul3A_198 : i32 to index
      %swap3A_202 = tpu.vector_load %arg9[%swap3A_200, %swap3A_201] {strides = array<i32>} : memref<16x4096xf32, #tpu.memory_space<vmem>>, vector<16xf32>,
      tpu.vector_store %arg9[%swap3A_200, %swap3A_201], %broadcast_in_dim3A_6 {strides = array<i32>} : memref<16x4096xf32, #tpu.memory_space<vmem>>, vector<16xf32>,
    }
    %scan3A_101 = arith.constant 256 : i32
    %add3A_102 = arith.constant 0 : i32
    %add3A_103 = arith.addi %add3A_5, %add3A_102 : i32
    %add3A_104 = arith.constant 16 : i32
    %add3A_105 = arith.addi %add3A_5, %add3A_104 : i32
    %add3A_106 = arith.constant 32 : i32
    %add3A_107 = arith.addi %add3A_5, %add3A_106 : i32
    %add3A_108 = arith.constant 48 : i32
    %add3A_109 = arith.addi %add3A_5, %add3A_108 : i32
    %dma_start3A = arith.constant 0 : i32
    %dma_start3A_110 = tpu.memref_slice %arg5[%add3A_103, %dma_start3A] : memref<2064x4096xf32, #tpu.memory_space<hbm>> -> memref<16x4096xf32, #tpu.memory_space<hbm>>
    %dma_start3A_111 = arith.constant 0 : i32
    %dma_start3A_112 = tpu.memref_slice %arg5[%add3A_103, %dma_start3A_111] : memref<2064x4096xf32, #tpu.memory_space<hbm>> -> memref<16x4096xf32, #tpu.memory_space<hbm>>
    tpu.enqueue_dma source(%arg9 : memref<16x4096xf32, #tpu.memory_space<vmem>>) target(%dma_start3A_112 : memref<16x4096xf32, #tpu.memory_space<hbm>>) target_semaphore(%arg10 : memref<!tpu.dma_semaphore, #tpu.memory_space<semaphore_mem>>)
    %dma_start3A_113 = arith.constant 0 : i32
    %dma_start3A_114 = tpu.memref_slice %arg5[%add3A_105, %dma_start3A_113] : memref<2064x4096xf32, #tpu.memory_space<hbm>> -> memref<16x4096xf32, #tpu.memory_space<hbm>>
    %dma_start3A_115 = arith.constant 0 : i32
    %dma_start3A_116 = tpu.memref_slice %arg5[%add3A_105, %dma_start3A_115] : memref<2064x4096xf32, #tpu.memory_space<hbm>> -> memref<16x4096xf32, #tpu.memory_space<hbm>>
    tpu.enqueue_dma source(%arg9 : memref<16x4096xf32, #tpu.memory_space<vmem>>) target(%dma_start3A_116 : memref<16x4096xf32, #tpu.memory_space<hbm>>) target_semaphore(%arg10 : memref<!tpu.dma_semaphore, #tpu.memory_space<semaphore_mem>>)
    %dma_start3A_117 = arith.constant 0 : i32
    %dma_start3A_118 = tpu.memref_slice %arg5[%add3A_107, %dma_start3A_117] : memref<2064x4096xf32, #tpu.memory_space<hbm>> -> memref<16x4096xf32, #tpu.memory_space<hbm>>
    %dma_start3A_119 = arith.constant 0 : i32
    %dma_start3A_120 = tpu.memref_slice %arg5[%add3A_107, %dma_start3A_119] : memref<2064x4096xf32, #tpu.memory_space<hbm>> -> memref<16x4096xf32, #tpu.memory_space<hbm>>
    tpu.enqueue_dma source(%arg9 : memref<16x4096xf32, #tpu.memory_space<vmem>>) target(%dma_start3A_120 : memref<16x4096xf32, #tpu.memory_space<hbm>>) target_semaphore(%arg10 : memref<!tpu.dma_semaphore, #tpu.memory_space<semaphore_mem>>)
    %dma_start3A_121 = arith.constant 0 : i32
    %dma_start3A_122 = tpu.memref_slice %arg5[%add3A_109, %dma_start3A_121] : memref<2064x4096xf32, #tpu.memory_space<hbm>> -> memref<16x4096xf32, #tpu.memory_space<hbm>>
    %dma_start3A_123 = arith.constant 0 : i32
    %dma_start3A_124 = tpu.memref_slice %arg5[%add3A_109, %dma_start3A_123] : memref<2064x4096xf32, #tpu.memory_space<hbm>> -> memref<16x4096xf32, #tpu.memory_space<hbm>>
    tpu.enqueue_dma source(%arg9 : memref<16x4096xf32, #tpu.memory_space<vmem>>) target(%dma_start3A_124 : memref<16x4096xf32, #tpu.memory_space<hbm>>) target_semaphore(%arg10 : memref<!tpu.dma_semaphore, #tpu.memory_space<semaphore_mem>>)
    %convert_element_type3A = arith.extui %lt3A_1 : i1 to i32
    %cond3A = arith.constant 0 : i32
    %cond3A_125 = arith.cmpi ne, %convert_element_type3A, %cond3A : i32
    scf.if %cond3A_125 {
      %add3A_141 = arith.constant 64 : i32
      %add3A_142 = arith.addi %add3A_5, %add3A_141 : i32
      "tpu.region"() ({
        %run_scoped3A = tpu.sem_alloc : memref<!tpu.dma_semaphore, #tpu.memory_space<semaphore_mem>>
        %dma_start3A_143 = arith.constant 0 : i32
        %dma_start3A_144 = arith.constant 0 : i32
        %dma_start3A_145 = tpu.memref_slice %arg9[%dma_start3A_143, %dma_start3A_144] : memref<16x4096xf32, #tpu.memory_space<vmem>> -> memref<1x4096xf32, #tpu.memory_space<vmem>>
        %dma_start3A_146 = arith.constant 0 : i32
        %dma_start3A_147 = tpu.memref_slice %arg5[%add3A_142, %dma_start3A_146] : memref<2064x4096xf32, #tpu.memory_space<hbm>> -> memref<1x4096xf32, #tpu.memory_space<hbm>>
        %dma_start3A_148 = arith.constant 0 : i32
        %dma_start3A_149 = tpu.memref_slice %arg5[%add3A_142, %dma_start3A_148] : memref<2064x4096xf32, #tpu.memory_space<hbm>> -> memref<1x4096xf32, #tpu.memory_space<hbm>>
        %dma_start3A_150 = arith.constant 0 : i32
        %dma_start3A_151 = arith.constant 0 : i32
        %dma_start3A_152 = tpu.memref_slice %arg9[%dma_start3A_150, %dma_start3A_151] : memref<16x4096xf32, #tpu.memory_space<vmem>> -> memref<1x4096xf32, #tpu.memory_space<vmem>>
        tpu.enqueue_dma source(%dma_start3A_152 : memref<1x4096xf32, #tpu.memory_space<vmem>>) target(%dma_start3A_149 : memref<1x4096xf32, #tpu.memory_space<hbm>>) target_semaphore(%run_scoped3A : memref<!tpu.dma_semaphore, #tpu.memory_space<semaphore_mem>>)
        %dma_wait3A_153 = arith.constant 0 : i32
        %dma_wait3A_154 = arith.constant 0 : i32
        %dma_wait3A_155 = tpu.memref_slice %arg9[%dma_wait3A_153, %dma_wait3A_154] : memref<16x4096xf32, #tpu.memory_space<vmem>> -> memref<1x4096xf32, #tpu.memory_space<vmem>>
        %dma_wait3A_156 = arith.constant 0 : i32
        %dma_wait3A_157 = tpu.memref_slice %arg5[%add3A_142, %dma_wait3A_156] : memref<2064x4096xf32, #tpu.memory_space<hbm>> -> memref<1x4096xf32, #tpu.memory_space<hbm>>
        %dma_wait3A_158 = arith.constant 0 : i32
        %dma_wait3A_159 = tpu.memref_slice %arg5[%add3A_142, %dma_wait3A_158] : memref<2064x4096xf32, #tpu.memory_space<hbm>> -> memref<1x4096xf32, #tpu.memory_space<hbm>>
        %dma_wait3A_160 = arith.constant 0 : i32
        %dma_wait3A_161 = arith.constant 0 : i32
        %dma_wait3A_162 = tpu.memref_slice %arg9[%dma_wait3A_160, %dma_wait3A_161] : memref<16x4096xf32, #tpu.memory_space<vmem>> -> memref<1x4096xf32, #tpu.memory_space<vmem>>
        tpu.wait_dma2 semaphore(%run_scoped3A : memref<!tpu.dma_semaphore, #tpu.memory_space<semaphore_mem>>) src(%dma_wait3A_162 : memref<1x4096xf32, #tpu.memory_space<vmem>>) dst(%dma_wait3A_159 : memref<1x4096xf32, #tpu.memory_space<hbm>>)
        tpu.yield
      }) : () -> ()
    } else {
    }
    %dma_wait3A = arith.constant 0 : i32
    %dma_wait3A_126 = tpu.memref_slice %arg5[%add3A_103, %dma_wait3A] : memref<2064x4096xf32, #tpu.memory_space<hbm>> -> memref<16x4096xf32, #tpu.memory_space<hbm>>
    %dma_wait3A_127 = arith.constant 0 : i32
    %dma_wait3A_128 = tpu.memref_slice %arg5[%add3A_103, %dma_wait3A_127] : memref<2064x4096xf32, #tpu.memory_space<hbm>> -> memref<16x4096xf32, #tpu.memory_space<hbm>>
    tpu.wait_dma2 semaphore(%arg10 : memref<!tpu.dma_semaphore, #tpu.memory_space<semaphore_mem>>) src(%arg9 : memref<16x4096xf32, #tpu.memory_space<vmem>>) dst(%dma_wait3A_128 : memref<16x4096xf32, #tpu.memory_space<hbm>>)
    %dma_wait3A_129 = arith.constant 0 : i32
    %dma_wait3A_130 = tpu.memref_slice %arg5[%add3A_105, %dma_wait3A_129] : memref<2064x4096xf32, #tpu.memory_space<hbm>> -> memref<16x4096xf32, #tpu.memory_space<hbm>>
    %dma_wait3A_131 = arith.constant 0 : i32
    %dma_wait3A_132 = tpu.memref_slice %arg5[%add3A_105, %dma_wait3A_131] : memref<2064x4096xf32, #tpu.memory_space<hbm>> -> memref<16x4096xf32, #tpu.memory_space<hbm>>
    tpu.wait_dma2 semaphore(%arg10 : memref<!tpu.dma_semaphore, #tpu.memory_space<semaphore_mem>>) src(%arg9 : memref<16x4096xf32, #tpu.memory_space<vmem>>) dst(%dma_wait3A_132 : memref<16x4096xf32, #tpu.memory_space<hbm>>)
    %dma_wait3A_133 = arith.constant 0 : i32
    %dma_wait3A_134 = tpu.memref_slice %arg5[%add3A_107, %dma_wait3A_133] : memref<2064x4096xf32, #tpu.memory_space<hbm>> -> memref<16x4096xf32, #tpu.memory_space<hbm>>
    %dma_wait3A_135 = arith.constant 0 : i32
    %dma_wait3A_136 = tpu.memref_slice %arg5[%add3A_107, %dma_wait3A_135] : memref<2064x4096xf32, #tpu.memory_space<hbm>> -> memref<16x4096xf32, #tpu.memory_space<hbm>>
    tpu.wait_dma2 semaphore(%arg10 : memref<!tpu.dma_semaphore, #tpu.memory_space<semaphore_mem>>) src(%arg9 : memref<16x4096xf32, #tpu.memory_space<vmem>>) dst(%dma_wait3A_136 : memref<16x4096xf32, #tpu.memory_space<hbm>>)
    %dma_wait3A_137 = arith.constant 0 : i32
    %dma_wait3A_138 = tpu.memref_slice %arg5[%add3A_109, %dma_wait3A_137] : memref<2064x4096xf32, #tpu.memory_space<hbm>> -> memref<16x4096xf32, #tpu.memory_space<hbm>>
    %dma_wait3A_139 = arith.constant 0 : i32
    %dma_wait3A_140 = tpu.memref_slice %arg5[%add3A_109, %dma_wait3A_139] : memref<2064x4096xf32, #tpu.memory_space<hbm>> -> memref<16x4096xf32, #tpu.memory_space<hbm>>
    tpu.wait_dma2 semaphore(%arg10 : memref<!tpu.dma_semaphore, #tpu.memory_space<semaphore_mem>>) src(%arg9 : memref<16x4096xf32, #tpu.memory_space<vmem>>) dst(%dma_wait3A_140 : memref<16x4096xf32, #tpu.memory_space<hbm>>)
    return
  }
}

</mosaic_0001>

<sc_bundles>
// kernel: kernel.3.cloned.1.call-start
scs
__scs_entry_jumppad:
0x0: {  	(pc) =	sbr.rel $0x88, $3  }
0x1: {  	(tag) =	ssettag $0x0;
	lr =	simm.s32 $0x1  }
0x2: {  	[smem:$0x3F9E] =	sst lr;
	_ =	strace $0xD0000000  }
0x3: {  	_ = 	snop  }
0x4: {  	_ = 	snop  }
0x5: {  	_ = 	snop  }
0x6: {  	_ = 	snop  }
0x7: {  	_ = 	snop  }
__scs_overlays_trampoline_lowered:
0x8: {  	[smem:$0x3FAD] =	sst s0  }
0x9: {  	[smem:$0x3FAE] =	sst s1  }
0xa: {  	[smem:$0x3FAF] =	sst s2  }
0xb: {  	[smem:$0x3FB0] =	sst s3  }
0xc: {  	[smem:$0x3FB1] =	sst s4  }
0xd: {  	[smem:$0x3FB2] =	sst s5  }
0xe: {  	[smem:$0x3FB3] =	sst s6  }
0xf: {  	[smem:$0x3FB4] =	sst s7  }
0x10: {  	[smem:$0x3FB5] =	sst s8  }
0x11: {  	[smem:$0x3FB6] =	sst s9;
	s0 =	simm.s32 @!p0 $0x0  }
0x12: {  	s1 =	sld [smem:$0x3F9C];
	s0 =	simm.s32 @p0 $0x1  }
0x13: {  	[smem:$0x3FB7] =	sst s0;
	s0 =	simm.s32 @!p1 $0x0  }
0x14: {  	s2 =	sld [smem:$0x3F9B];
	s0 =	simm.s32 @p1 $0x1  }
0x15: {  	[smem:$0x3FB8] =	sst s0;
	s0 =	simm.s32 @!p2 $0x0  }
0x16: {  	s3 =	sld [smem:$0x3FDB];
	s0 =	simm.s32 @p2 $0x1  }
0x17: {  	s4 =	simm.s32 $0x1BF5;
	[smem:$0x3FBA] =	sst s0  }
0x18: {  	s0 =	sld [smem:$0x3F9D];
	_ =	swait.ge [sflag:s4], $0x0  }
0x19: {  	s7 =	sld [smem:$0x3F9E]  }
0x1a: {  	s8 =	sadd.s32 $0xFFFFE003, lr  }
0x1b: {  	s9 =	sadd.s32 $0xFFFFFEF7, lr;
	s5 =	simm.s32 $0xFFFFFFFF;
	p2 =	slt.u32 s8, $0xFFFFF086  }
0x1c: {  	p1 =	slt.u32 s9, $0xF7A;
	s5 =	simm.s32 @!p2 $0x0  }
0x1d: {  	s5 =	simm.s32 @p1 $0x1;
	p0 =	seq.s32 s7, s2  }
0x1e: {  	s7 =	smul.u32 @!p0 $0xF7A, s2;
	p2 =	seq.s32 @!p0 s5, $0x0  }
0x1f: {  	s9 =	smul.u32 $0xF7A, s1;
	s8 =	simm.s32 @!p0 $0x1BF5;
	p2 =	por !p2, p0  }
0x20: {  	[sflag:s8] =	ssyncset.s32 @!p0 $0xFFFFF086;
	s6 =	sadd.s32 @!p0 s3, s7;
	s7 =	simm.s32 @!p0 $0x108  }
0x21: {  	s3 =	sadd.s32 s3, s9;
	s6 =	sadd.s32 @!p0 $0x88, s6;
	s7 =	simm.s32 @p2 $0x1082  }
0x22: {  	[simem:s7], [sflag:s8] =	dma.local @!p0 [hbm:s6], $0xF7A  }
0x23: {  	s9 =	sor.u32 $0xD0000000, s2;
	s6 =	simm.s32 $0x108;
	_ =	swait.ge @!p0 [sflag:s8], $0x0  }
0x24: {  	s3 =	sadd.s32 $0x88, s3;
	s6 =	simm.s32 @!p1 $0x1082;
	[sflag:s4] =	ssyncset.s32 $0xFFFFF086  }
0x25: {  	[simem:s6], [sflag:s4] =	dma.local [hbm:s3], $0xF7A  }
0x26: {  	[smem:$0x3F9E] =	sst s1;
	(tag) =	ssettag s2;
	_ =	strace s9  }
0x27: {  	s1 =	sld [smem:$0x3FAE]  }
0x28: {  	s2 =	sld [smem:$0x3FAF]  }
0x29: {  	s4 =	sld [smem:$0x3FB1]  }
0x2a: {  	p0 =	seq.s32 s5, $0x0;
	s5 =	sld [smem:$0x3FB2]  }
0x2b: {  	s6 =	sld [smem:$0x3FB3]  }
0x2c: {  	s7 =	sld [smem:$0x3FB4]  }
0x2d: {  	s3 =	simm.s32 $0x108;
	s8 =	sld [smem:$0x3FB5]  }
0x2e: {  	s3 =	simm.s32 @!p0 $0x1082;
	s9 =	sld [smem:$0x3FB6]  }
0x2f: {  	lr =	sadd.s32 s0, s3;
	s0 =	sld [smem:$0x3FAD]  }
0x30: {  	s3 =	sld [smem:$0x3FB0]  }
0x31: {  	[smem:$0x3FB9] =	sst s10  }
0x32: {  	s10 =	sld [smem:$0x3FB7];
	_ =	sdelay $0x3  }
0x33: {  	p0 =	seq.s32 s10, $0x1;
	s10 =	sld [smem:$0x3FB9];
	_ =	sdelay $0x3  }
0x34: {  	[smem:$0x3FB9] =	sst s10  }
0x35: {  	s10 =	sld [smem:$0x3FB8];
	_ =	sdelay $0x3  }
0x36: {  	p1 =	seq.s32 s10, $0x1;
	s10 =	sld [smem:$0x3FB9];
	_ =	sdelay $0x3  }
0x37: {  	[smem:$0x3FB9] =	sst s10  }
0x38: {  	s10 =	sld [smem:$0x3FBA]  }
0x39: {  	_ = 	snop;
	(pc) =	sbr.ind lr, $3  }
0x3a: {  	_ = 	snop  }
0x3b: {  	_ = 	snop  }
0x3c: {  	p2 =	seq.s32 s10, $0x1;
	s10 =	sld [smem:$0x3FB9]  }
0x3d: {  	_ =	shalt  }
0x3e: {  	_ =	shalt  }
0x3f: {  	_ =	shalt  }
0x40: {  	_ =	shalt  }
0x41: {  	_ =	shalt  }
0x42: {  	_ =	shalt  }
0x43: {  	_ =	shalt  }
0x44: {  	_ =	shalt  }
0x45: {  	_ =	shalt  }
0x46: {  	_ =	shalt  }
0x47: {  	_ =	shalt  }
0x48: {  	_ =	shalt  }
0x49: {  	_ =	shalt  }
0x4a: {  	_ =	shalt  }
0x4b: {  	_ =	shalt  }
0x4c: {  	_ =	shalt  }
0x4d: {  	_ =	shalt  }
0x4e: {  	_ =	shalt  }
0x4f: {  	_ =	shalt  }
0x50: {  	_ =	shalt  }
0x51: {  	_ =	shalt  }
0x52: {  	_ =	shalt  }
0x53: {  	_ =	shalt  }
0x54: {  	_ =	shalt  }
0x55: {  	_ =	shalt  }
0x56: {  	_ =	shalt  }
0x57: {  	_ =	shalt  }
0x58: {  	_ =	shalt  }
0x59: {  	_ =	shalt  }
0x5a: {  	_ =	shalt  }
0x5b: {  	_ =	shalt  }
0x5c: {  	_ =	shalt  }
0x5d: {  	_ =	shalt  }
0x5e: {  	_ =	shalt  }
0x5f: {  	_ =	shalt  }
0x60: {  	_ =	shalt  }
0x61: {  	_ =	shalt  }
0x62: {  	_ =	shalt  }
0x63: {  	_ =	shalt  }
0x64: {  	_ =	shalt  }
0x65: {  	_ =	shalt  }
0x66: {  	_ =	shalt  }
0x67: {  	_ =	shalt  }
0x68: {  	_ =	shalt  }
0x69: {  	_ =	shalt  }
0x6a: {  	_ =	shalt  }
0x6b: {  	_ =	shalt  }
0x6c: {  	_ =	shalt  }
0x6d: {  	_ =	shalt  }
0x6e: {  	_ =	shalt  }
0x6f: {  	_ =	shalt  }
0x70: {  	_ =	shalt  }
0x71: {  	_ =	shalt  }
0x72: {  	_ =	shalt  }
0x73: {  	_ =	shalt  }
0x74: {  	_ =	shalt  }
0x75: {  	_ =	shalt  }
0x76: {  	_ =	shalt  }
0x77: {  	_ =	shalt  }
0x78: {  	_ =	shalt  }
0x79: {  	_ =	shalt  }
0x7a: {  	_ =	shalt  }
0x7b: {  	_ =	shalt  }
0x7c: {  	_ =	shalt  }
0x7d: {  	_ =	shalt  }
0x7e: {  	_ =	shalt  }
0x7f: {  	_ =	shalt  }
0x80: {  	_ =	shalt  }
0x81: {  	_ =	shalt  }
0x82: {  	_ =	shalt  }
0x83: {  	_ =	shalt  }
0x84: {  	_ =	shalt  }
0x85: {  	_ =	shalt  }
0x86: {  	_ =	shalt  }
0x87: {  	_ =	shalt  }
.Lfunc_end0:
.L_simem_size_0:
called_computation_lowered:
.L_overlay_start_0:
0x88: {  	s2 =	sld [smem:$0x3FD9]  }
0x89: {  	s3 =	sld [smem:$0x3FFE];
	_ =	sdelay $0x1  }
0x8a: {  	s1 =	srdreg.scid  }
0x8b: {  	s0 =	sand.u32 $0x1, s1  }
0x8c: {  	s17 =	sshll.u32 s0, $0xA;
	s2 =	sadd.s32 s3, s2  }
0x8d: {  	s2 =	sadd.s32 s2, s17  }
0x8e: {  	[smem:$0x3FC5] =	sst s2  }
0x8f: {  	_ = 	snop  }
0x90: {  	s2 =	sld [smem:$0x3FC9]  }
0x91: {  	s18 =	sld [smem:$0x3FC8];
	(tm) =	ssettm $0x1  }
0x92: {  	s4 =	sld [smem:$0x3FFB];
	_ =	sdelay $0x3  }
0x93: {  	_ =	strace s4  }
0x94: {  	s4 =	sld [smem:$0x3FFC];
	_ =	sdelay $0x3  }
0x95: {  	_ =	strace s4  }
0x96: {  	s4 =	sld [smem:$0x3FFD];
	_ =	sdelay $0x3  }
0x97: {  	_ =	strace s4  }
0x98: {  	_ =	strace $0x8FFFFFFF  }
0x99: {  	s19 =	sld [smem:$0x3FDB];
	_ =	sdelay $0x1  }
0x9a: {  	s5 =	simm.s32 $_scs_section_size  }
0x9b: {  	s6 =	simm.s32 $_size__tile_overlayer_lowered;
	s7 =	simm.s32 $_tile_overlayer_lowered  }
0x9c: {  	s22 =	simm.s32 $0x1BFF;
	s21 =	sshll.u32 s7, $0x1;
	s4 =	sadd.s32 s5, s19  }
0x9d: {  	s8 =	simm.s32 $0x0;
	s20 =	sshll.u32 s6, $0x1;
	s6 =	sadd.s32 s21, s4  }
0x9e: {  	[timem:s8], [sflag:s22] =	dma.local [hbm:s6], s20  }
0x9f: {  	_ =	swait.ge [sflag:s22], s20  }
0xa0: {  	s5 =	ssub.s32 $0x0, s20;
	[sflag:s22] =	ssyncset.done $0x0  }
0xa1: {  	[sflag:s22] =	ssyncadd.s32 s5;
	_ =	sdelay $0x1  }
0xa2: {  	s23 =	simm.s32 $0x1B8B  }
0xa3: {  	_ =	swait.ge [sflag:s23], $0x1  }
0xa4: {  	[sflag:s23] =	ssyncset.done $0x0  }
0xa5: {  	s25 =	simm.s32 $0x1B8E;
	s24 =	sld [smem:$0x3FFE];
	[sflag:s23] =	ssyncadd.s32 $0xFFFFFFFF  }
0xa6: {  	s26 =	simm.s32 $execute0_lowered;
	[smem:$0x3FD2] =	sst s25  }
0xa7: {  	s6 =	sshll.u32 s26, $0x1;
	_ =	strace $0x80000046;
	[dreg:$0x1] =	wrdreg $0xFFFFFFFF  }
0xa8: {  	s28 =	simm.s32 $_size_execute0_lowered;
	s4 =	sadd.s32 s4, s6;
	[dreg:$0x0] =	wrdreg $0x0  }
0xa9: {  	s6 =	sshll.u32 s28, $0x1;
	[dreg:$0x2] =	wrdreg s4  }
0xaa: {  	[dreg:$0x3] =	wrdreg s6  }
0xab: {  	[dreg:$0x4] =	wrdreg $0xC0  }
0xac: {  	_ =	task [dreg:s8], $0x5FFFF  }
0xad: {  	[dreg:$0x1] =	wrdreg $0xFFFFFFFF  }
0xae: {  	[dreg:$0x0] =	wrdreg $0x60  }
0xaf: {  	[dreg:$0x2] =	wrdreg s2  }
0xb0: {  	[dreg:$0x3] =	wrdreg s18  }
0xb1: {  	[dreg:$0x4] =	wrdreg s24  }
0xb2: {  	[dreg:$0x5] =	wrdreg $0x9  }
0xb3: {  	_ =	task.clear_ibuf [dreg:s8], $0x6FFFF;
	_ =	strace $0x90000046  }
0xb4: {  	s29 =	simm.s32 $0x9;
	_ =	strace $0x80000048  }
0xb5: {  	_ =	swait.ge [sflag:s29], $0x1  }
0xb6: {  	[sflag:s29] =	ssyncadd.s32 $0xFFFFFFFF  }
0xb7: {  	_ =	strace $0x90000048  }
0xb8: {  	_ =	sfence  }
0xb9: {  	s30 =	sld [smem:$0x0];
	_ =	sdelay $0x2  }
0xba: {  	s31 =	sshll.u32 s1, $0xD;
	s1 =	sshrl.u32 s1, $0x2  }
0xbb: {  	s3 =	sand.u32 $0x4000, s31;
	s1 =	sadd.s32 s1, s30  }
0xbc: {  	s0 =	sor.u32 s3, s0;
	s1 =	sshll.u32 s1, $0x11  }
0xbd: {  	s0 =	sor.u32 s1, s0  }
0xbe: {  	s0 =	sadd.s32 $0x8F2B, s0  }
0xbf: {  	[sflag:s0] =	ssyncadd.remote.s32 $0x1  }
0xc0: {  	_ =	sfence.sel $0xFFFF  }
0xc1: {  	[dreg:$0x0] =	wrdreg $0xFFFFFFFF;
	(pc) =	sbr.abs _section_cstart, $3  }
0xc2: {  	[dreg:$0x1] =	wrdreg $0xFFFFFFFF  }
0xc3: {  	_ =	task.clear_ibuf [dreg:s8], $0x2FFFF;
	_ =	strace $0x9FFFFFFF  }
0xc4: {  	(tm) =	ssettm $0x7FFFFFFF  }
0xc5: {  	_ =	shalt  }
tec
execute0_lowered:
.L_overlay_start_1:
0x0: {  	(tag) =	ssettag $0x1  }
0x1: {  	s1 =	rddreg [dreg:$0x0]  }
0x2: {  	s3 =	rddreg [dreg:$0x1]  }
0x3: {  	s0 =	srdreg.scid;
	s5 =	rddreg [dreg:$0x2];
	s4 =	simm.s32 $0x0  }
0x4: {  	s11 =	simm.s32 $0x2;
	s12 =	simm.s32 $0x90;
	s13 =	sand.u32 $0x1, s0  }
0x5: {  	s14 =	simm.s32 $0x1;
	s0 =	stileid.u32;
	s2 =	sshll.u32 s13, $0x4  }
0x6: {  	s15 =	simm.s32 $0x0;
	[smem:$0x7FF] =	sst s4;
	s6 =	sor.u32 s0, s2  }
0x7: {  	s8 =	ssub.s32 $0x2, s13;
	p0 =	sne.s32 s13, $0x0;
	s7 =	smin.u32 s6, $0x10  }
0x8: {  	s13 =	simm.s32 $0x120;
	s6 =	sshll.u32 s6, $0xF;
	s7 =	sshll.u32 s7, $0x9  }
0x9: {  	s2 =	rddreg [dreg:$0x3];
	s31 =	sshrl.u32 s8, $0x1;
	s6 =	sor.u32 s7, s6  }
0xa: {  	_ =	strace $0x80000047;
	s10 =	ssub.s32 s8, s31;
	s9 =	sadd.s32 s6, s5  }
0xb: {  	s10 =	smax.u32 s10, $0x1;
	s5 =	sadd.s32 $0x400, s9;
	s6 =	sadd.s32 $0x2400, s9  }
0xc: {  	v0 =	vimm.f32 $0.0e+00;
	s7 =	sadd.s32 $0x4400, s9;
	s8 =	sadd.s32 $0x6400, s9;
	s9 =	sadd.s32 $0x8400, s9  }
.LBB2_1:
0xd: {  	[tilespmem:s4], [sflag:$0x2] =	stream.linear.gather [hbm4b:s1+s4], $0x80, $0x38;
	[tilespmem:$0x10120] =	vst v63  }
0xe: {  	_ =	swait.ge [sflag:s11], $0x80  }
0xf: {  	[sflag:s11] =	ssyncset.done $0x0  }
0x10: {  	[sflag:s11] =	ssyncadd.s32 $0xFFFFFF80  }
0x11: {  	[tilespmem:s12], [sflag:$0x2] =	stream.linear.gather [hbm4b:s3+s4], $0x80, $0x38;
	[tilespmem:$0x10120] =	vst v63  }
0x12: {  	_ =	swait.ge [sflag:s11], $0x80  }
0x13: {  	[sflag:s11] =	ssyncset.done $0x0  }
0x14: {  	s16 =	simm.s32 $0x160;
	[sflag:s11] =	ssyncadd.s32 $0xFFFFFF80  }
0x15: {  	[tilespmem:s16+$0xFFFFFFC0] =	vst v0  }
0x16: {  	[tilespmem:s16+$0x30] =	vst v0  }
0x17: {  	[tilespmem:s16+$0x20] =	vst v0  }
0x18: {  	[tilespmem:s16+$0x10] =	vst v0  }
0x19: {  	[tilespmem:s16+$0x0] =	vst v0  }
0x1a: {  	[tilespmem:s16+$0xFFFFFFF0] =	vst v0  }
0x1b: {  	s18 =	simm.s32 $0x0;
	[tilespmem:s16+$0xFFFFFFE0] =	vst v0  }
.LBB2_2:
0x1c: {  	s18 =	sadd.s32 $0x8, s18;
	[tilespmem:s16+$0xFFFFFFD0] =	vst v0;
	s16 =	sadd.s32 $0x80, s16;
	s17 =	simm.s32 $0x1190  }
0x1d: {  	[tilespmem:s16+$0xFFFFFFC0] =	vst v0;
	p1 =	slt.u32 s18, $0xF8  }
0x1e: {  	[tilespmem:s16+$0x30] =	vst v0  }
.Ltmp0:
0x1f: {  	[tilespmem:s16+$0x20] =	vst v0;
	(pc) =	sbr.rel @p1 .LBB2_2-.Ltmp0, $4  }
0x20: {  	[tilespmem:s16+$0x10] =	vst v0  }
0x21: {  	[tilespmem:s16+$0x0] =	vst v0  }
0x22: {  	[tilespmem:s16+$0xFFFFFFF0] =	vst v0  }
0x23: {  	[tilespmem:s16+$0xFFFFFFE0] =	vst v0  }
0x24: {  	[tilespmem:s16+$0xFFFFFFD0] =	vst v0  }
0x25: {  	[tilespmem:s17+$0xFFFFFF90] =	vst v0  }
0x26: {  	[tilespmem:s17+$0x0] =	vst v0  }
0x27: {  	[tilespmem:s17+$0xFFFFFFF0] =	vst v0  }
0x28: {  	[tilespmem:s17+$0xFFFFFFE0] =	vst v0  }
0x29: {  	[tilespmem:s17+$0xFFFFFFD0] =	vst v0  }
0x2a: {  	[tilespmem:s17+$0xFFFFFFC0] =	vst v0  }
0x2b: {  	s18 =	simm.s32 $0x0;
	s16 =	simm.s32 $0x2190;
	[tilespmem:s17+$0xFFFFFFB0] =	vst v0  }
.LBB2_4:
0x2c: {  	s18 =	sadd.s32 $0x8, s18;
	[tilespmem:s17+$0xFFFFFFA0] =	vst v0;
	s17 =	sadd.s32 $0x80, s17  }
0x2d: {  	[tilespmem:s17+$0xFFFFFF90] =	vst v0;
	p1 =	slt.u32 s18, $0xF8  }
0x2e: {  	[tilespmem:s17+$0x0] =	vst v0  }
.Ltmp1:
0x2f: {  	[tilespmem:s17+$0xFFFFFFF0] =	vst v0;
	(pc) =	sbr.rel @p1 .LBB2_4-.Ltmp1, $4  }
0x30: {  	[tilespmem:s17+$0xFFFFFFE0] =	vst v0  }
0x31: {  	[tilespmem:s17+$0xFFFFFFD0] =	vst v0  }
0x32: {  	[tilespmem:s17+$0xFFFFFFC0] =	vst v0  }
0x33: {  	[tilespmem:s17+$0xFFFFFFB0] =	vst v0  }
0x34: {  	[tilespmem:s17+$0xFFFFFFA0] =	vst v0  }
0x35: {  	[tilespmem:s16+$0xFFFFFF90] =	vst v0  }
0x36: {  	[tilespmem:s16+$0x0] =	vst v0  }
0x37: {  	[tilespmem:s16+$0xFFFFFFF0] =	vst v0  }
0x38: {  	[tilespmem:s16+$0xFFFFFFE0] =	vst v0  }
0x39: {  	[tilespmem:s16+$0xFFFFFFD0] =	vst v0  }
0x3a: {  	[tilespmem:s16+$0xFFFFFFC0] =	vst v0  }
0x3b: {  	s18 =	simm.s32 $0x0;
	[tilespmem:s16+$0xFFFFFFB0] =	vst v0  }
.LBB2_6:
0x3c: {  	s18 =	sadd.s32 $0x8, s18;
	[tilespmem:s16+$0xFFFFFFA0] =	vst v0;
	s16 =	sadd.s32 $0x80, s16;
	s17 =	simm.s32 $0x3190  }
0x3d: {  	[tilespmem:s16+$0xFFFFFF90] =	vst v0;
	p1 =	slt.u32 s18, $0xF8  }
0x3e: {  	[tilespmem:s16+$0x0] =	vst v0  }
.Ltmp2:
0x3f: {  	[tilespmem:s16+$0xFFFFFFF0] =	vst v0;
	(pc) =	sbr.rel @p1 .LBB2_6-.Ltmp2, $4  }
0x40: {  	[tilespmem:s16+$0xFFFFFFE0] =	vst v0  }
0x41: {  	[tilespmem:s16+$0xFFFFFFD0] =	vst v0  }
0x42: {  	[tilespmem:s16+$0xFFFFFFC0] =	vst v0  }
0x43: {  	[tilespmem:s16+$0xFFFFFFB0] =	vst v0  }
0x44: {  	[tilespmem:s16+$0xFFFFFFA0] =	vst v0  }
0x45: {  	[tilespmem:s17+$0xFFFFFF90] =	vst v0  }
0x46: {  	[tilespmem:s17+$0x0] =	vst v0  }
0x47: {  	[tilespmem:s17+$0xFFFFFFF0] =	vst v0  }
0x48: {  	[tilespmem:s17+$0xFFFFFFE0] =	vst v0  }
0x49: {  	[tilespmem:s17+$0xFFFFFFD0] =	vst v0  }
0x4a: {  	[tilespmem:s17+$0xFFFFFFC0] =	vst v0  }
0x4b: {  	s18 =	simm.s32 $0x0;
	s16 =	simm.s32 $0x4190;
	[tilespmem:s17+$0xFFFFFFB0] =	vst v0  }
.LBB2_8:
0x4c: {  	s18 =	sadd.s32 $0x8, s18;
	[tilespmem:s17+$0xFFFFFFA0] =	vst v0;
	s17 =	sadd.s32 $0x80, s17  }
0x4d: {  	[tilespmem:s17+$0xFFFFFF90] =	vst v0;
	p1 =	slt.u32 s18, $0xF8  }
0x4e: {  	[tilespmem:s17+$0x0] =	vst v0  }
.Ltmp3:
0x4f: {  	[tilespmem:s17+$0xFFFFFFF0] =	vst v0;
	(pc) =	sbr.rel @p1 .LBB2_8-.Ltmp3, $4  }
0x50: {  	[tilespmem:s17+$0xFFFFFFE0] =	vst v0  }
0x51: {  	[tilespmem:s17+$0xFFFFFFD0] =	vst v0  }
0x52: {  	[tilespmem:s17+$0xFFFFFFC0] =	vst v0  }
0x53: {  	[tilespmem:s17+$0xFFFFFFB0] =	vst v0  }
0x54: {  	[tilespmem:s17+$0xFFFFFFA0] =	vst v0  }
0x55: {  	[tilespmem:s16+$0xFFFFFF90] =	vst v0  }
0x56: {  	[tilespmem:s16+$0x0] =	vst v0  }
0x57: {  	[tilespmem:s16+$0xFFFFFFF0] =	vst v0  }
0x58: {  	[tilespmem:s16+$0xFFFFFFE0] =	vst v0  }
0x59: {  	[tilespmem:s16+$0xFFFFFFD0] =	vst v0  }
0x5a: {  	[tilespmem:s16+$0xFFFFFFC0] =	vst v0  }
0x5b: {  	s18 =	simm.s32 $0x0;
	[tilespmem:s16+$0xFFFFFFB0] =	vst v0  }
.LBB2_10:
0x5c: {  	s18 =	sadd.s32 $0x8, s18;
	[tilespmem:s16+$0xFFFFFFA0] =	vst v0;
	s16 =	sadd.s32 $0x80, s16;
	s17 =	simm.s32 $0x5190  }
0x5d: {  	[tilespmem:s16+$0xFFFFFF90] =	vst v0;
	p1 =	slt.u32 s18, $0xF8  }
0x5e: {  	[tilespmem:s16+$0x0] =	vst v0  }
.Ltmp4:
0x5f: {  	[tilespmem:s16+$0xFFFFFFF0] =	vst v0;
	(pc) =	sbr.rel @p1 .LBB2_10-.Ltmp4, $4  }
0x60: {  	[tilespmem:s16+$0xFFFFFFE0] =	vst v0  }
0x61: {  	[tilespmem:s16+$0xFFFFFFD0] =	vst v0  }
0x62: {  	[tilespmem:s16+$0xFFFFFFC0] =	vst v0  }
0x63: {  	[tilespmem:s16+$0xFFFFFFB0] =	vst v0  }
0x64: {  	[tilespmem:s16+$0xFFFFFFA0] =	vst v0  }
0x65: {  	[tilespmem:s17+$0xFFFFFF90] =	vst v0  }
0x66: {  	[tilespmem:s17+$0x0] =	vst v0  }
0x67: {  	[tilespmem:s17+$0xFFFFFFF0] =	vst v0  }
0x68: {  	[tilespmem:s17+$0xFFFFFFE0] =	vst v0  }
0x69: {  	[tilespmem:s17+$0xFFFFFFD0] =	vst v0  }
0x6a: {  	[tilespmem:s17+$0xFFFFFFC0] =	vst v0  }
0x6b: {  	s18 =	simm.s32 $0x0;
	s16 =	simm.s32 $0x6190;
	[tilespmem:s17+$0xFFFFFFB0] =	vst v0  }
.LBB2_12:
0x6c: {  	s18 =	sadd.s32 $0x8, s18;
	[tilespmem:s17+$0xFFFFFFA0] =	vst v0;
	s17 =	sadd.s32 $0x80, s17  }
0x6d: {  	[tilespmem:s17+$0xFFFFFF90] =	vst v0;
	p1 =	slt.u32 s18, $0xF8  }
0x6e: {  	[tilespmem:s17+$0x0] =	vst v0  }
.Ltmp5:
0x6f: {  	[tilespmem:s17+$0xFFFFFFF0] =	vst v0;
	(pc) =	sbr.rel @p1 .LBB2_12-.Ltmp5, $4  }
0x70: {  	[tilespmem:s17+$0xFFFFFFE0] =	vst v0  }
0x71: {  	[tilespmem:s17+$0xFFFFFFD0] =	vst v0  }
0x72: {  	[tilespmem:s17+$0xFFFFFFC0] =	vst v0  }
0x73: {  	[tilespmem:s17+$0xFFFFFFB0] =	vst v0  }
0x74: {  	[tilespmem:s17+$0xFFFFFFA0] =	vst v0  }
0x75: {  	[tilespmem:s16+$0xFFFFFF90] =	vst v0  }
0x76: {  	[tilespmem:s16+$0x0] =	vst v0  }
0x77: {  	[tilespmem:s16+$0xFFFFFFF0] =	vst v0  }
0x78: {  	[tilespmem:s16+$0xFFFFFFE0] =	vst v0  }
0x79: {  	[tilespmem:s16+$0xFFFFFFD0] =	vst v0  }
0x7a: {  	[tilespmem:s16+$0xFFFFFFC0] =	vst v0  }
0x7b: {  	s18 =	simm.s32 $0x0;
	[tilespmem:s16+$0xFFFFFFB0] =	vst v0  }
.LBB2_14:
0x7c: {  	s18 =	sadd.s32 $0x8, s18;
	[tilespmem:s16+$0xFFFFFFA0] =	vst v0;
	s16 =	sadd.s32 $0x80, s16;
	s17 =	simm.s32 $0x7190  }
0x7d: {  	[tilespmem:s16+$0xFFFFFF90] =	vst v0;
	p1 =	slt.u32 s18, $0xF8  }
0x7e: {  	[tilespmem:s16+$0x0] =	vst v0  }
.Ltmp6:
0x7f: {  	[tilespmem:s16+$0xFFFFFFF0] =	vst v0;
	(pc) =	sbr.rel @p1 .LBB2_14-.Ltmp6, $4  }
0x80: {  	[tilespmem:s16+$0xFFFFFFE0] =	vst v0  }
0x81: {  	[tilespmem:s16+$0xFFFFFFD0] =	vst v0  }
0x82: {  	[tilespmem:s16+$0xFFFFFFC0] =	vst v0  }
0x83: {  	[tilespmem:s16+$0xFFFFFFB0] =	vst v0  }
0x84: {  	[tilespmem:s16+$0xFFFFFFA0] =	vst v0  }
0x85: {  	[tilespmem:s17+$0xFFFFFF90] =	vst v0  }
0x86: {  	[tilespmem:s17+$0x0] =	vst v0  }
0x87: {  	[tilespmem:s17+$0xFFFFFFF0] =	vst v0  }
0x88: {  	[tilespmem:s17+$0xFFFFFFE0] =	vst v0  }
0x89: {  	[tilespmem:s17+$0xFFFFFFD0] =	vst v0  }
0x8a: {  	[tilespmem:s17+$0xFFFFFFC0] =	vst v0  }
0x8b: {  	s18 =	simm.s32 $0x0;
	s16 =	simm.s32 $0x8190;
	[tilespmem:s17+$0xFFFFFFB0] =	vst v0  }
.LBB2_16:
0x8c: {  	s18 =	sadd.s32 $0x8, s18;
	[tilespmem:s17+$0xFFFFFFA0] =	vst v0;
	s17 =	sadd.s32 $0x80, s17  }
0x8d: {  	[tilespmem:s17+$0xFFFFFF90] =	vst v0;
	p1 =	slt.u32 s18, $0xF8  }
0x8e: {  	[tilespmem:s17+$0x0] =	vst v0  }
.Ltmp7:
0x8f: {  	[tilespmem:s17+$0xFFFFFFF0] =	vst v0;
	(pc) =	sbr.rel @p1 .LBB2_16-.Ltmp7, $4  }
0x90: {  	[tilespmem:s17+$0xFFFFFFE0] =	vst v0  }
0x91: {  	[tilespmem:s17+$0xFFFFFFD0] =	vst v0  }
0x92: {  	[tilespmem:s17+$0xFFFFFFC0] =	vst v0  }
0x93: {  	[tilespmem:s17+$0xFFFFFFB0] =	vst v0  }
0x94: {  	[tilespmem:s17+$0xFFFFFFA0] =	vst v0  }
0x95: {  	[tilespmem:s16+$0xFFFFFF90] =	vst v0  }
0x96: {  	[tilespmem:s16+$0x0] =	vst v0  }
0x97: {  	[tilespmem:s16+$0xFFFFFFF0] =	vst v0  }
0x98: {  	[tilespmem:s16+$0xFFFFFFE0] =	vst v0  }
0x99: {  	[tilespmem:s16+$0xFFFFFFD0] =	vst v0  }
0x9a: {  	[tilespmem:s16+$0xFFFFFFC0] =	vst v0  }
0x9b: {  	s18 =	simm.s32 $0x0;
	[tilespmem:s16+$0xFFFFFFB0] =	vst v0  }
.LBB2_18:
0x9c: {  	s18 =	sadd.s32 $0x8, s18;
	[tilespmem:s16+$0xFFFFFFA0] =	vst v0;
	s16 =	sadd.s32 $0x80, s16;
	s17 =	simm.s32 $0x9190  }
0x9d: {  	[tilespmem:s16+$0xFFFFFF90] =	vst v0;
	p1 =	slt.u32 s18, $0xF8  }
0x9e: {  	[tilespmem:s16+$0x0] =	vst v0  }
.Ltmp8:
0x9f: {  	[tilespmem:s16+$0xFFFFFFF0] =	vst v0;
	(pc) =	sbr.rel @p1 .LBB2_18-.Ltmp8, $4  }
0xa0: {  	[tilespmem:s16+$0xFFFFFFE0] =	vst v0  }
0xa1: {  	[tilespmem:s16+$0xFFFFFFD0] =	vst v0  }
0xa2: {  	[tilespmem:s16+$0xFFFFFFC0] =	vst v0  }
0xa3: {  	[tilespmem:s16+$0xFFFFFFB0] =	vst v0  }
0xa4: {  	[tilespmem:s16+$0xFFFFFFA0] =	vst v0  }
0xa5: {  	[tilespmem:s17+$0xFFFFFF90] =	vst v0  }
0xa6: {  	[tilespmem:s17+$0x0] =	vst v0  }
0xa7: {  	[tilespmem:s17+$0xFFFFFFF0] =	vst v0  }
0xa8: {  	[tilespmem:s17+$0xFFFFFFE0] =	vst v0  }
0xa9: {  	[tilespmem:s17+$0xFFFFFFD0] =	vst v0  }
0xaa: {  	[tilespmem:s17+$0xFFFFFFC0] =	vst v0  }
0xab: {  	s18 =	simm.s32 $0x0;
	s16 =	simm.s32 $0xA190;
	[tilespmem:s17+$0xFFFFFFB0] =	vst v0  }
.LBB2_20:
0xac: {  	s18 =	sadd.s32 $0x8, s18;
	[tilespmem:s17+$0xFFFFFFA0] =	vst v0;
	s17 =	sadd.s32 $0x80, s17  }
0xad: {  	[tilespmem:s17+$0xFFFFFF90] =	vst v0;
	p1 =	slt.u32 s18, $0xF8  }
0xae: {  	[tilespmem:s17+$0x0] =	vst v0  }
.Ltmp9:
0xaf: {  	[tilespmem:s17+$0xFFFFFFF0] =	vst v0;
	(pc) =	sbr.rel @p1 .LBB2_20-.Ltmp9, $4  }
0xb0: {  	[tilespmem:s17+$0xFFFFFFE0] =	vst v0  }
0xb1: {  	[tilespmem:s17+$0xFFFFFFD0] =	vst v0  }
0xb2: {  	[tilespmem:s17+$0xFFFFFFC0] =	vst v0  }
0xb3: {  	[tilespmem:s17+$0xFFFFFFB0] =	vst v0  }
0xb4: {  	[tilespmem:s17+$0xFFFFFFA0] =	vst v0  }
0xb5: {  	[tilespmem:s16+$0xFFFFFF90] =	vst v0  }
0xb6: {  	[tilespmem:s16+$0x0] =	vst v0  }
0xb7: {  	[tilespmem:s16+$0xFFFFFFF0] =	vst v0  }
0xb8: {  	[tilespmem:s16+$0xFFFFFFE0] =	vst v0  }
0xb9: {  	[tilespmem:s16+$0xFFFFFFD0] =	vst v0  }
0xba: {  	[tilespmem:s16+$0xFFFFFFC0] =	vst v0  }
0xbb: {  	s18 =	simm.s32 $0x0;
	[tilespmem:s16+$0xFFFFFFB0] =	vst v0  }
.LBB2_22:
0xbc: {  	s18 =	sadd.s32 $0x8, s18;
	[tilespmem:s16+$0xFFFFFFA0] =	vst v0;
	s16 =	sadd.s32 $0x80, s16;
	s17 =	simm.s32 $0xB190  }
0xbd: {  	[tilespmem:s16+$0xFFFFFF90] =	vst v0;
	p1 =	slt.u32 s18, $0xF8  }
0xbe: {  	[tilespmem:s16+$0x0] =	vst v0  }
.Ltmp10:
0xbf: {  	[tilespmem:s16+$0xFFFFFFF0] =	vst v0;
	(pc) =	sbr.rel @p1 .LBB2_22-.Ltmp10, $4  }
0xc0: {  	[tilespmem:s16+$0xFFFFFFE0] =	vst v0  }
0xc1: {  	[tilespmem:s16+$0xFFFFFFD0] =	vst v0  }
0xc2: {  	[tilespmem:s16+$0xFFFFFFC0] =	vst v0  }
0xc3: {  	[tilespmem:s16+$0xFFFFFFB0] =	vst v0  }
0xc4: {  	[tilespmem:s16+$0xFFFFFFA0] =	vst v0  }
0xc5: {  	[tilespmem:s17+$0xFFFFFF90] =	vst v0  }
0xc6: {  	[tilespmem:s17+$0x0] =	vst v0  }
0xc7: {  	[tilespmem:s17+$0xFFFFFFF0] =	vst v0  }
0xc8: {  	[tilespmem:s17+$0xFFFFFFE0] =	vst v0  }
0xc9: {  	[tilespmem:s17+$0xFFFFFFD0] =	vst v0  }
0xca: {  	[tilespmem:s17+$0xFFFFFFC0] =	vst v0  }
0xcb: {  	s18 =	simm.s32 $0x0;
	s16 =	simm.s32 $0xC190;
	[tilespmem:s17+$0xFFFFFFB0] =	vst v0  }
.LBB2_24:
0xcc: {  	s18 =	sadd.s32 $0x8, s18;
	[tilespmem:s17+$0xFFFFFFA0] =	vst v0;
	s17 =	sadd.s32 $0x80, s17  }
0xcd: {  	[tilespmem:s17+$0xFFFFFF90] =	vst v0;
	p1 =	slt.u32 s18, $0xF8  }
0xce: {  	[tilespmem:s17+$0x0] =	vst v0  }
.Ltmp11:
0xcf: {  	[tilespmem:s17+$0xFFFFFFF0] =	vst v0;
	(pc) =	sbr.rel @p1 .LBB2_24-.Ltmp11, $4  }
0xd0: {  	[tilespmem:s17+$0xFFFFFFE0] =	vst v0  }
0xd1: {  	[tilespmem:s17+$0xFFFFFFD0] =	vst v0  }
0xd2: {  	[tilespmem:s17+$0xFFFFFFC0] =	vst v0  }
0xd3: {  	[tilespmem:s17+$0xFFFFFFB0] =	vst v0  }
0xd4: {  	[tilespmem:s17+$0xFFFFFFA0] =	vst v0  }
0xd5: {  	[tilespmem:s16+$0xFFFFFF90] =	vst v0  }
0xd6: {  	[tilespmem:s16+$0x0] =	vst v0  }
0xd7: {  	[tilespmem:s16+$0xFFFFFFF0] =	vst v0  }
0xd8: {  	[tilespmem:s16+$0xFFFFFFE0] =	vst v0  }
0xd9: {  	[tilespmem:s16+$0xFFFFFFD0] =	vst v0  }
0xda: {  	[tilespmem:s16+$0xFFFFFFC0] =	vst v0  }
0xdb: {  	s18 =	simm.s32 $0x0;
	[tilespmem:s16+$0xFFFFFFB0] =	vst v0  }
.LBB2_26:
0xdc: {  	s18 =	sadd.s32 $0x8, s18;
	[tilespmem:s16+$0xFFFFFFA0] =	vst v0;
	s16 =	sadd.s32 $0x80, s16;
	s17 =	simm.s32 $0xD190  }
0xdd: {  	[tilespmem:s16+$0xFFFFFF90] =	vst v0;
	p1 =	slt.u32 s18, $0xF8  }
0xde: {  	[tilespmem:s16+$0x0] =	vst v0  }
.Ltmp12:
0xdf: {  	[tilespmem:s16+$0xFFFFFFF0] =	vst v0;
	(pc) =	sbr.rel @p1 .LBB2_26-.Ltmp12, $4  }
0xe0: {  	[tilespmem:s16+$0xFFFFFFE0] =	vst v0  }
0xe1: {  	[tilespmem:s16+$0xFFFFFFD0] =	vst v0  }
0xe2: {  	[tilespmem:s16+$0xFFFFFFC0] =	vst v0  }
0xe3: {  	[tilespmem:s16+$0xFFFFFFB0] =	vst v0  }
0xe4: {  	[tilespmem:s16+$0xFFFFFFA0] =	vst v0  }
0xe5: {  	[tilespmem:s17+$0xFFFFFF90] =	vst v0  }
0xe6: {  	[tilespmem:s17+$0x0] =	vst v0  }
0xe7: {  	[tilespmem:s17+$0xFFFFFFF0] =	vst v0  }
0xe8: {  	[tilespmem:s17+$0xFFFFFFE0] =	vst v0  }
0xe9: {  	[tilespmem:s17+$0xFFFFFFD0] =	vst v0  }
0xea: {  	[tilespmem:s17+$0xFFFFFFC0] =	vst v0  }
0xeb: {  	s18 =	simm.s32 $0x0;
	s16 =	simm.s32 $0xE190;
	[tilespmem:s17+$0xFFFFFFB0] =	vst v0  }
.LBB2_28:
0xec: {  	s18 =	sadd.s32 $0x8, s18;
	[tilespmem:s17+$0xFFFFFFA0] =	vst v0;
	s17 =	sadd.s32 $0x80, s17  }
0xed: {  	[tilespmem:s17+$0xFFFFFF90] =	vst v0;
	p1 =	slt.u32 s18, $0xF8  }
0xee: {  	[tilespmem:s17+$0x0] =	vst v0  }
.Ltmp13:
0xef: {  	[tilespmem:s17+$0xFFFFFFF0] =	vst v0;
	(pc) =	sbr.rel @p1 .LBB2_28-.Ltmp13, $4  }
0xf0: {  	[tilespmem:s17+$0xFFFFFFE0] =	vst v0  }
0xf1: {  	[tilespmem:s17+$0xFFFFFFD0] =	vst v0  }
0xf2: {  	[tilespmem:s17+$0xFFFFFFC0] =	vst v0  }
0xf3: {  	[tilespmem:s17+$0xFFFFFFB0] =	vst v0  }
0xf4: {  	[tilespmem:s17+$0xFFFFFFA0] =	vst v0  }
0xf5: {  	[tilespmem:s16+$0xFFFFFF90] =	vst v0  }
0xf6: {  	[tilespmem:s16+$0x0] =	vst v0  }
0xf7: {  	[tilespmem:s16+$0xFFFFFFF0] =	vst v0  }
0xf8: {  	[tilespmem:s16+$0xFFFFFFE0] =	vst v0  }
0xf9: {  	[tilespmem:s16+$0xFFFFFFD0] =	vst v0  }
0xfa: {  	[tilespmem:s16+$0xFFFFFFC0] =	vst v0  }
0xfb: {  	s18 =	simm.s32 $0x0;
	[tilespmem:s16+$0xFFFFFFB0] =	vst v0  }
.LBB2_30:
0xfc: {  	s18 =	sadd.s32 $0x8, s18;
	[tilespmem:s16+$0xFFFFFFA0] =	vst v0;
	s16 =	sadd.s32 $0x80, s16;
	s17 =	simm.s32 $0xF190  }
0xfd: {  	[tilespmem:s16+$0xFFFFFF90] =	vst v0;
	p1 =	slt.u32 s18, $0xF8  }
0xfe: {  	[tilespmem:s16+$0x0] =	vst v0  }
.Ltmp14:
0xff: {  	[tilespmem:s16+$0xFFFFFFF0] =	vst v0;
	(pc) =	sbr.rel @p1 .LBB2_30-.Ltmp14, $4  }
0x100: {  	[tilespmem:s16+$0xFFFFFFE0] =	vst v0  }
0x101: {  	[tilespmem:s16+$0xFFFFFFD0] =	vst v0  }
0x102: {  	[tilespmem:s16+$0xFFFFFFC0] =	vst v0  }
0x103: {  	[tilespmem:s16+$0xFFFFFFB0] =	vst v0  }
0x104: {  	[tilespmem:s16+$0xFFFFFFA0] =	vst v0  }
0x105: {  	[tilespmem:s17+$0xFFFFFF90] =	vst v0  }
0x106: {  	[tilespmem:s17+$0x0] =	vst v0  }
0x107: {  	[tilespmem:s17+$0xFFFFFFF0] =	vst v0  }
0x108: {  	[tilespmem:s17+$0xFFFFFFE0] =	vst v0  }
0x109: {  	[tilespmem:s17+$0xFFFFFFD0] =	vst v0  }
0x10a: {  	[tilespmem:s17+$0xFFFFFFC0] =	vst v0  }
0x10b: {  	s16 =	simm.s32 $0x0;
	[tilespmem:s17+$0xFFFFFFB0] =	vst v0  }
.LBB2_32:
0x10c: {  	s16 =	sadd.s32 $0x8, s16;
	[tilespmem:s17+$0xFFFFFFA0] =	vst v0;
	s17 =	sadd.s32 $0x80, s17  }
0x10d: {  	[tilespmem:s17+$0xFFFFFF90] =	vst v0;
	p1 =	slt.u32 s16, $0xF8  }
0x10e: {  	[tilespmem:s17+$0x0] =	vst v0  }
.Ltmp15:
0x10f: {  	[tilespmem:s17+$0xFFFFFFF0] =	vst v0;
	(pc) =	sbr.rel @p1 .LBB2_32-.Ltmp15, $4  }
0x110: {  	[tilespmem:s17+$0xFFFFFFE0] =	vst v0  }
0x111: {  	[tilespmem:s17+$0xFFFFFFD0] =	vst v0  }
0x112: {  	[tilespmem:s17+$0xFFFFFFC0] =	vst v0  }
0x113: {  	[tilespmem:s17+$0xFFFFFFB0] =	vst v0  }
0x114: {  	[tilespmem:s17+$0xFFFFFFA0] =	vst v0  }
0x115: {  	[hbm4b:s5+s4] =	stream.linear.scatter [tilespmem:s13], [sflag:$0x1], $0x10000, $0x38;
	[tilespmem:$0x10120] =	vst v63  }
0x116: {  	_ = 	snop  }
0x117: {  	[hbm4b:s6+s4] =	stream.linear.scatter [tilespmem:s13], [sflag:$0x1], $0x10000, $0x38;
	[tilespmem:$0x10120] =	vst v63  }
0x118: {  	_ = 	snop  }
0x119: {  	[hbm4b:s7+s4] =	stream.linear.scatter [tilespmem:s13], [sflag:$0x1], $0x10000, $0x38;
	[tilespmem:$0x10120] =	vst v63  }
0x11a: {  	_ = 	snop  }
0x11b: {  	[hbm4b:s8+s4] =	stream.linear.scatter [tilespmem:s13], [sflag:$0x1], $0x10000, $0x38;
	[tilespmem:$0x10120] =	vst v63  }
0x11c: {  	s16 =	simm.s32 @!p0 $0x0;
	s17 =	simm.s32 @!p0 $0x120  }
0x11d: {  	[hbm4b:s9+s16] =	stream.linear.scatter @!p0 [tilespmem:s17], [sflag:$0x2], $0x1000, $0x38;
	[tilespmem:$0x10120] =	vst v63  }
0x11e: {  	s16 =	simm.s32 @!p0 $0x2  }
0x11f: {  	_ =	swait.ge @!p0 [sflag:s16], $0x1000  }
0x120: {  	[sflag:s16] =	ssyncset.done @!p0 $0x0  }
0x121: {  	[sflag:s16] =	ssyncadd.s32 @!p0 $0xFFFFF000  }
0x122: {  	_ =	swait.ge [sflag:s14], $0x10000  }
0x123: {  	[sflag:s14] =	ssyncset.done $0x0  }
0x124: {  	[sflag:s14] =	ssyncadd.s32 $0xFFFF0000  }
0x125: {  	_ =	swait.ge [sflag:s14], $0x10000  }
0x126: {  	[sflag:s14] =	ssyncset.done $0x0  }
0x127: {  	s15 =	sadd.s32 $0x1, s15;
	[sflag:s14] =	ssyncadd.s32 $0xFFFF0000  }
0x128: {  	p1 =	sne.s32 s15, s10;
	_ =	swait.ge [sflag:s14], $0x10000  }
.Ltmp16:
0x129: {  	[sflag:s14] =	ssyncset.done $0x0;
	(pc) =	sbr.rel @p1 .LBB2_1-.Ltmp16, $4  }
0x12a: {  	[sflag:s14] =	ssyncadd.s32 $0xFFFF0000  }
0x12b: {  	_ =	swait.ge [sflag:s14], $0x10000  }
0x12c: {  	[sflag:s14] =	ssyncset.done $0x0  }
0x12d: {  	[sflag:s14] =	ssyncadd.s32 $0xFFFF0000  }
0x12e: {  	_ =	sfence.sel $0x180000  }
0x12f: {  	[bflag:$0x0] =	sbarrier.arrive $0xFFFF  }
0x130: {  	p0 =	sne.s32 s0, $0x0;
	_ =	strace $0x90000047  }
0x131: {  	s0 =	sadd.s32 @!p0 $0x100000, s2;
	[bflag:$0x2] =	sbarrier.arrive $0xFFFF  }
0x132: {  	[sflag:s0] =	ssyncadd.tile.s32 @!p0 $0x1;
	_ =	shalt  }
.Lfunc_end2:
_tile_overlayer_lowered:
.L_overlay_start_2:
0x133: {  	(tag) =	ssettag $0x2  }
0x134: {  	s0 =	rddreg [dreg:$0x0];
	s2 =	stileid.u32  }
0x135: {  	s1 =	rddreg [dreg:$0x1];
	p0 =	sne.s32 s2, $0x0  }
0x136: {  	s3 =	rddreg [dreg:$0x2];
	[bflag:$0x3] =	sbarrier.arrive $0xFFFF;
	s2 =	simm.s32 @!p0 $0x1C02  }
0x137: {  	[timem:s3], [sflag:s2] =	dma.local @!p0 [hbm:s0], s1  }
0x138: {  	s0 =	simm.s32 @!p0 $0x2  }
0x139: {  	_ =	swait.ge @!p0 [sflag:s0], s1  }
0x13a: {  	s1 =	ssub.s32 @!p0 $0x0, s1;
	[sflag:s0] =	ssyncset.done @!p0 $0x0  }
0x13b: {  	[sflag:s0] =	ssyncadd.s32 @!p0 s1  }
0x13c: {  	[bflag:$0x3] =	sbarrier.arrive $0xFFFF  }
0x13d: {  	_ =	shalt  }

</sc_bundles>
